<compile_context>
chip_gen: v7x
topology: tpu7x:2x2x1
jax: 0.10.2.dev20260603
libtpu: 0.0.44.dev20260713+nightly
codegen_flags: <defaults>
</compile_context>

<pallas_src>
import functools

import jax
import jax.numpy as jnp
from jax import lax
from jax.experimental import pallas as pl
from jax.experimental.pallas import tpu as pltpu
from jax.experimental.pallas import tpu_sc as plsc

N_NODES = 10000
N_EDGES = 160000
N_GRAPHS = 3
D = 128
N_SPECIES = 64

NC, NS = 2, 16
NW = NC * NS
CHUNK = 128
E_PAD = 163840
C_PER_W = E_PAD // NW
NCHUNK = C_PER_W // CHUNK
ROWS_PER_SUB = N_NODES // NS

BE = 2048
NBE = E_PAD // BE
BN = 1000
NBN = N_NODES // BN

_F32 = jnp.float32


def _dot(a, b, dims=(((1,), (0,)), ((), ())), prec=lax.Precision.DEFAULT):
    return lax.dot_general(a, b, dimension_numbers=dims,
                           precision=prec,
                           preferred_element_type=_F32)


def _sigmoid(x):
    return 1.0 / (1.0 + jnp.exp(-x))


def _silu(x):
    return x * _sigmoid(x)


def _dsilu(x):
    s = _sigmoid(x)
    return s * (1.0 + x * (1.0 - s))



def _sc_mesh():
    return plsc.VectorSubcoreMesh(core_axis_name="c", subcore_axis_name="s")


_SC_PARAMS = pltpu.CompilerParams(use_tc_tiling_on_sc=False)


def _worker_base():
    c = lax.axis_index("c")
    s = lax.axis_index("s")
    return c, s, (s * NC + c) * C_PER_W


def _sc_gather_pair(pos16, snd2d, rcv2d):
    @functools.partial(
        pl.kernel,
        out_type=[jax.ShapeDtypeStruct((E_PAD, 16), _F32),
                  jax.ShapeDtypeStruct((E_PAD, 16), _F32)],
        mesh=_sc_mesh(),
        compiler_params=_SC_PARAMS,
        scratch_types=[pltpu.VMEM((NCHUNK, CHUNK), jnp.int32),
                       pltpu.VMEM((C_PER_W, 16), _F32),
                       pltpu.SemaphoreType.DMA])
    def run(pos_hbm, snd_hbm, rcv_hbm, ps_out, pr_out, idxs, rows, semg):
        _, _, base0 = _worker_base()
        cbase = base0 // CHUNK

        def one_table(idx_hbm, out_hbm):
            pltpu.sync_copy(idx_hbm.at[pl.ds(cbase, NCHUNK)], idxs)

            def fire(j, carry):
                pltpu.async_copy(pos_hbm.at[idxs.at[j]],
                                 rows.at[pl.ds(j * CHUNK, CHUNK)], semg)
                return carry

            lax.fori_loop(0, NCHUNK, fire, 0)
            pltpu.make_async_copy(out_hbm.at[pl.ds(base0, C_PER_W)], rows,
                                  semg).wait()
            pltpu.sync_copy(rows, out_hbm.at[pl.ds(base0, C_PER_W)])

        one_table(snd_hbm, ps_out)
        one_table(rcv_hbm, pr_out)

    return run(pos16, snd2d, rcv2d)


def _sc_gather_rows(table, rcv2d):
    grp = 5
    @functools.partial(
        pl.kernel,
        out_type=jax.ShapeDtypeStruct((E_PAD, D), _F32),
        mesh=_sc_mesh(),
        compiler_params=_SC_PARAMS,
        scratch_types=[pltpu.VMEM((NCHUNK, CHUNK), jnp.int32),
                       pltpu.VMEM((grp * CHUNK, D), _F32),
                       pltpu.SemaphoreType.DMA,
                       pltpu.SemaphoreType.DMA])
    def run(tab_hbm, rcv_hbm, out, idxs, rows, semg, semw):
        _, _, base0 = _worker_base()
        cbase = base0 // CHUNK
        pltpu.sync_copy(rcv_hbm.at[pl.ds(cbase, NCHUNK)], idxs)

        def group(g, carry):
            @pl.when(g > 0)
            def _():
                pltpu.make_async_copy(out.at[pl.ds(base0, grp * CHUNK)], rows,
                                      semw).wait()
            for b in range(grp):
                j = g * grp + b
                pltpu.async_copy(tab_hbm.at[idxs.at[j]],
                                 rows.at[pl.ds(b * CHUNK, CHUNK)], semg)
            pltpu.make_async_copy(out.at[pl.ds(base0, grp * CHUNK)], rows,
                                  semg).wait()
            for b in range(grp):
                j = g * grp + b
                pltpu.async_copy(rows.at[pl.ds(b * CHUNK, CHUNK)],
                                 out.at[pl.ds(base0 + j * CHUNK, CHUNK)], semw)
            return carry

        lax.fori_loop(0, NCHUNK // grp, group, 0)
        pltpu.make_async_copy(out.at[pl.ds(base0, grp * CHUNK)], rows,
                              semw).wait()

    return run(table, rcv2d)


def _sc_scatter_h2(h2, rcv2d, zeros_slice):
    grp = 2
    @functools.partial(
        pl.kernel,
        out_type=jax.ShapeDtypeStruct((NC, N_NODES, D), _F32),
        mesh=_sc_mesh(),
        compiler_params=_SC_PARAMS,
        scratch_types=[pltpu.VMEM_SHARED((N_NODES, D), _F32),
                       pltpu.VMEM((NCHUNK, CHUNK), jnp.int32),
                       pltpu.VMEM((grp * CHUNK, D), _F32),
                       pltpu.SemaphoreType.DMA])
    def run(h2_hbm, rcv_hbm, z_hbm, out, shared, idxs, rows, semr):
        c, s, base0 = _worker_base()
        cbase = base0 // CHUNK
        rbase = s * ROWS_PER_SUB
        pltpu.sync_copy(rcv_hbm.at[pl.ds(cbase, NCHUNK)], idxs)
        pltpu.sync_copy(z_hbm, shared.at[pl.ds(rbase, ROWS_PER_SUB)])
        plsc.subcore_barrier()

        def group(g, carry):
            for b in range(grp):
                j = g * grp + b
                pltpu.async_copy(h2_hbm.at[pl.ds(base0 + j * CHUNK, CHUNK)],
                                 rows.at[pl.ds(b * CHUNK, CHUNK)], semr)
            pltpu.make_async_copy(h2_hbm.at[pl.ds(base0, grp * CHUNK)], rows,
                                  semr).wait()
            for b in range(grp):
                j = g * grp + b
                pltpu.sync_copy(rows.at[pl.ds(b * CHUNK, CHUNK)],
                                shared.at[idxs.at[j]], add=True)
            return carry

        lax.fori_loop(0, NCHUNK // grp, group, 0)
        plsc.subcore_barrier()
        pltpu.sync_copy(shared.at[pl.ds(rbase, ROWS_PER_SUB)],
                        out.at[c, pl.ds(rbase, ROWS_PER_SUB)])

    return run(h2, rcv2d, zeros_slice)


def _sc_scatter_dvec(dvec, rcv2d, snd2d, zeros_slice):
    @functools.partial(
        pl.kernel,
        out_type=[jax.ShapeDtypeStruct((NC, N_NODES, 16), _F32),
                  jax.ShapeDtypeStruct((NC, N_NODES, 16), _F32)],
        mesh=_sc_mesh(),
        compiler_params=_SC_PARAMS,
        scratch_types=[pltpu.VMEM_SHARED((N_NODES, 16), _F32),
                       pltpu.VMEM_SHARED((N_NODES, 16), _F32),
                       pltpu.VMEM((NCHUNK, CHUNK), jnp.int32),
                       pltpu.VMEM((NCHUNK, CHUNK), jnp.int32),
                       pltpu.VMEM((C_PER_W, 16), _F32),
                       pltpu.SemaphoreType.DMA])
    def run(dv_hbm, rcv_hbm, snd_hbm, z_hbm, out_r, out_s,
            sh_r, sh_s, idxr, idxn, rows, semg):
        c, s, base0 = _worker_base()
        cbase = base0 // CHUNK
        rbase = s * ROWS_PER_SUB
        pltpu.sync_copy(rcv_hbm.at[pl.ds(cbase, NCHUNK)], idxr)
        pltpu.sync_copy(snd_hbm.at[pl.ds(cbase, NCHUNK)], idxn)
        pltpu.async_copy(dv_hbm.at[pl.ds(base0, C_PER_W)], rows, semg)
        pltpu.sync_copy(z_hbm, sh_r.at[pl.ds(rbase, ROWS_PER_SUB)])
        pltpu.sync_copy(z_hbm, sh_s.at[pl.ds(rbase, ROWS_PER_SUB)])
        pltpu.make_async_copy(dv_hbm.at[pl.ds(base0, C_PER_W)], rows,
                              semg).wait()
        plsc.subcore_barrier()

        def fire(j, carry):
            pltpu.sync_copy(rows.at[pl.ds(j * CHUNK, CHUNK)],
                            sh_r.at[idxr.at[j]], add=True)
            pltpu.sync_copy(rows.at[pl.ds(j * CHUNK, CHUNK)],
                            sh_s.at[idxn.at[j]], add=True)
            return carry

        lax.fori_loop(0, NCHUNK, fire, 0)
        plsc.subcore_barrier()
        pltpu.sync_copy(sh_r.at[pl.ds(rbase, ROWS_PER_SUB)],
                        out_r.at[c, pl.ds(rbase, ROWS_PER_SUB)])
        pltpu.sync_copy(sh_s.at[pl.ds(rbase, ROWS_PER_SUB)],
                        out_s.at[c, pl.ds(rbase, ROWS_PER_SUB)])

    return run(dvec, rcv2d, snd2d, zeros_slice)



def _edge_vectors(pr, ps, sh, gm, cst):
    me = gm[:, 8:11]
    s_mat = jnp.concatenate([me[:, g:g + 1] * sh for g in range(N_GRAPHS)],
                            axis=1)
    shift_term = _dot(s_mat, cst)
    return pr - ps + shift_term


def _edge_fwd_body(pr_ref, ps_ref, sh_ref, gm_ref, w1_ref, w2_ref, cst_ref,
                   h2_ref, v_ref):
    v = _edge_vectors(pr_ref[...], ps_ref[...], sh_ref[...], gm_ref[...],
                      cst_ref[...])
    v_ref[...] = v
    z1 = _dot(v, w1_ref[...])
    z2 = _dot(_silu(z1), w2_ref[...])
    h2_ref[...] = _silu(z2)


def _edge_fwd_conf():
    full = lambda i: (0, 0)
    blk = lambda i: (i, 0)
    return dict(
        grid=(NBE,),
        in_specs=[pl.BlockSpec((BE, 16), blk),
                  pl.BlockSpec((BE, 16), blk),
                  pl.BlockSpec((BE, 16), blk),
                  pl.BlockSpec((BE, 16), blk),
                  pl.BlockSpec((16, D), full),
                  pl.BlockSpec((D, D), full),
                  pl.BlockSpec((48, 16), full)],
        out_specs=[pl.BlockSpec((BE, D), blk),
                   pl.BlockSpec((BE, 16), blk)],
        out_shape=[jax.ShapeDtypeStruct((E_PAD, D), _F32),
                   jax.ShapeDtypeStruct((E_PAD, 16), _F32)],
        compiler_params=pltpu.CompilerParams(
            dimension_semantics=("arbitrary",)),
    )


def _node_body(nf0_ref, nf1_ref, soh_ref, gm8_ref, emb_ref, w1_ref, w2r_ref,
               w1t_ref, dnode_ref, ge_ref, acc):
    i = pl.program_id(0)
    nf = nf0_ref[...] + nf1_ref[...] + _dot(soh_ref[...], emb_ref[...], prec=lax.Precision.HIGHEST)
    gm = gm8_ref[...]
    pmask = gm[:, 0:1] + gm[:, 1:2]
    a = _dot(nf, w1_ref[...])
    w2b = w2r_ref[0:1, :].astype(jnp.bfloat16).astype(_F32)
    sb = _silu(a).astype(jnp.bfloat16).astype(_F32)
    e = jnp.sum(sb * w2b, axis=1, keepdims=True) * pmask
    gpart = jnp.sum(gm * e, axis=0, keepdims=True)
    w2 = w2r_ref[0:1, :]
    dnode_ref[...] = _dot(_dsilu(a) * (w2 * pmask), w1t_ref[...])

    @pl.when(i == 0)
    def _():
        acc[...] = jnp.zeros_like(acc)

    acc[0:1, 0:8] += gpart
    ge_ref[...] = acc[...]


def _node_conf():
    full = lambda i: (0, 0)
    blk = lambda i: (i, 0)
    return dict(
        grid=(NBN,),
        in_specs=[pl.BlockSpec((BN, D), blk),
                  pl.BlockSpec((BN, D), blk),
                  pl.BlockSpec((BN, N_SPECIES), blk),
                  pl.BlockSpec((BN, 8), blk),
                  pl.BlockSpec((N_SPECIES, D), full),
                  pl.BlockSpec((D, D), full),
                  pl.BlockSpec((8, D), full),
                  pl.BlockSpec((D, D), full)],
        out_specs=[pl.BlockSpec((BN, D), blk),
                   pl.BlockSpec((8, D), full)],
        out_shape=[jax.ShapeDtypeStruct((N_NODES, D), _F32),
                   jax.ShapeDtypeStruct((8, D), _F32)],
        scratch_shapes=[pltpu.VMEM((8, D), _F32)],
        compiler_params=pltpu.CompilerParams(
            dimension_semantics=("arbitrary",)),
    )


def _edge_bwd_body(v_ref, sh_ref, gm_ref, dh2_ref, w1_ref, w2_ref,
                   w2t_ref, w1t_ref, dv_ref, sm_ref, acc):
    i = pl.program_id(0)
    v, sh, gm = v_ref[...], sh_ref[...], gm_ref[...]
    z1 = _dot(v, w1_ref[...])
    z2 = _dot(_silu(z1), w2_ref[...])
    dz2 = dh2_ref[...] * _dsilu(z2)
    dz1 = _dot(dz2, w2t_ref[...]) * _dsilu(z1)
    dvec = _dot(dz1, w1t_ref[...])
    pm = gm[:, 8:9] + gm[:, 9:10] + gm[:, 10:11]
    dvec = dvec * pm
    dv_ref[...] = dvec

    sh3 = sh[:, 0:3]
    parts = ([gm[:, 8 + g:9 + g] * sh3 for g in range(N_GRAPHS)]
             + [jnp.zeros((v.shape[0], 7), _F32)])
    l_mat = jnp.concatenate(parts, axis=1)
    sm = _dot(l_mat, dvec, dims=(((0,), (0,)), ((), ())),
              prec=lax.Precision.HIGHEST)
    @pl.when(i == 0)
    def _():
        acc[...] = jnp.zeros_like(acc)

    acc[...] += sm
    sm_ref[...] = acc[...]


def _edge_bwd_conf():
    full = lambda i: (0, 0)
    blk = lambda i: (i, 0)
    return dict(
        grid=(NBE,),
        in_specs=[pl.BlockSpec((BE, 16), blk),
                  pl.BlockSpec((BE, 16), blk),
                  pl.BlockSpec((BE, 16), blk),
                  pl.BlockSpec((BE, D), blk),
                  pl.BlockSpec((16, D), full),
                  pl.BlockSpec((D, D), full),
                  pl.BlockSpec((D, D), full),
                  pl.BlockSpec((D, 16), full)],
        out_specs=[pl.BlockSpec((BE, 16), blk),
                   pl.BlockSpec((16, 16), full)],
        out_shape=[jax.ShapeDtypeStruct((E_PAD, 16), _F32),
                   jax.ShapeDtypeStruct((16, 16), _F32)],
        scratch_shapes=[pltpu.VMEM((16, 16), _F32)],
        compiler_params=pltpu.CompilerParams(
            dimension_semantics=("arbitrary",)),
    )


BN8 = 2000


def _force_body(p0_ref, p1_ref, s0_ref, s1_ref, pos_ref, gm8_ref,
                f_ref, mn_ref, acc):
    i = pl.program_id(0)
    dsum = p0_ref[...] + p1_ref[...] - s0_ref[...] - s1_ref[...]
    f_ref[...] = -dsum
    gm = gm8_ref[...]
    pos3 = pos_ref[...][:, 0:3]
    parts = ([gm[:, g:g + 1] * pos3 for g in range(N_GRAPHS)]
             + [jnp.zeros((pos3.shape[0], 7), _F32)])
    l_mat = jnp.concatenate(parts, axis=1)
    mn = _dot(l_mat, dsum, dims=(((0,), (0,)), ((), ())),
              prec=lax.Precision.HIGHEST)

    @pl.when(i == 0)
    def _():
        acc[...] = jnp.zeros_like(acc)

    acc[...] += mn
    mn_ref[...] = acc[...]


def _force_conf():
    full = lambda i: (0, 0)
    blk = lambda i: (i, 0)
    return dict(
        grid=(N_NODES // BN8,),
        in_specs=[pl.BlockSpec((BN8, 16), blk),
                  pl.BlockSpec((BN8, 16), blk),
                  pl.BlockSpec((BN8, 16), blk),
                  pl.BlockSpec((BN8, 16), blk),
                  pl.BlockSpec((BN8, 16), blk),
                  pl.BlockSpec((BN8, 8), blk)],
        out_specs=[pl.BlockSpec((BN8, 16), blk),
                   pl.BlockSpec((16, 16), full)],
        out_shape=[jax.ShapeDtypeStruct((N_NODES, 16), _F32),
                   jax.ShapeDtypeStruct((16, 16), _F32)],
        scratch_shapes=[pltpu.VMEM((16, 16), _F32)],
        compiler_params=pltpu.CompilerParams(
            dimension_semantics=("arbitrary",)),
    )



def kernel(positions, shifts, cell, W_edge1, W_edge2, species_emb, W_node1,
           W_node2, species, senders, receivers, n_node, n_edge):
    f32 = _F32
    positions = positions.astype(f32)
    senders = senders.astype(jnp.int32)
    receivers = receivers.astype(jnp.int32)
    species = species.astype(jnp.int32)

    pos16 = jnp.pad(positions, ((0, 0), (0, 13)))
    pad_e = E_PAD - N_EDGES
    snd = jnp.pad(senders, (0, pad_e))
    rcv = jnp.pad(receivers, (0, pad_e))
    sh16 = jnp.pad(shifts.astype(f32), ((0, pad_e), (0, 13)))

    nb = jnp.cumsum(n_node)
    eb = jnp.cumsum(n_edge)
    g_recv = ((receivers >= nb[0]).astype(jnp.int32)
              + (receivers >= nb[1]).astype(jnp.int32))
    g_send = ((senders >= nb[0]).astype(jnp.int32)
              + (senders >= nb[1]).astype(jnp.int32))
    e_ar = jnp.arange(N_EDGES, dtype=jnp.int32)
    g_edge = ((e_ar >= eb[0]).astype(jnp.int32)
              + (e_ar >= eb[1]).astype(jnp.int32))
    gs = jnp.arange(N_GRAPHS, dtype=jnp.int32)
    gm16 = jnp.concatenate(
        [(g_recv[:, None] == gs).astype(f32),
         jnp.zeros((N_EDGES, 1), f32),
         (g_send[:, None] == gs).astype(f32),
         jnp.zeros((N_EDGES, 1), f32),
         (g_edge[:, None] == gs).astype(f32),
         jnp.zeros((N_EDGES, 5), f32)], axis=1)
    gm16 = jnp.pad(gm16, ((0, pad_e), (0, 0)))

    node_ar = jnp.arange(N_NODES, dtype=jnp.int32)
    g_node = ((node_ar >= nb[0]).astype(jnp.int32)
              + (node_ar >= nb[1]).astype(jnp.int32))
    gm8 = jnp.pad((g_node[:, None] == gs).astype(f32), ((0, 0), (0, 5)))
    soh = (species[:, None] == jnp.arange(N_SPECIES, dtype=jnp.int32)).astype(f32)

    cst = jnp.pad(cell.astype(f32), ((0, 0), (0, 13), (0, 13))).reshape(48, 16)
    w1p = jnp.pad(W_edge1.astype(f32), ((0, 13), (0, 0)))
    w1t = jnp.pad(W_edge1.T.astype(f32), ((0, 0), (0, 13)))
    w2 = W_edge2.astype(f32)
    w2t = w2.T
    wn1 = W_node1.astype(f32)
    wn1t = wn1.T
    w2r = jnp.pad(W_node2.T.astype(f32), ((0, 7), (0, 0)))
    emb = species_emb.astype(f32)
    z128 = jnp.zeros((ROWS_PER_SUB, D), f32)
    z16 = jnp.zeros((ROWS_PER_SUB, 16), f32)

    snd2d = snd.reshape(E_PAD // CHUNK, CHUNK)
    rcv2d = rcv.reshape(E_PAD // CHUNK, CHUNK)
    ps16, pr16 = _sc_gather_pair(pos16, snd2d, rcv2d)
    h2, v16 = pl.pallas_call(_edge_fwd_body, **_edge_fwd_conf())(
        pr16, ps16, sh16, gm16, w1p, w2, cst)
    nf_part = _sc_scatter_h2(h2, rcv2d, z128)
    dnode, ge = pl.pallas_call(_node_body, **_node_conf())(
        nf_part[0], nf_part[1], soh, gm8, emb, wn1, w2r, wn1t)
    dh2 = _sc_gather_rows(dnode, rcv2d)
    dvec, sm = pl.pallas_call(_edge_bwd_body, **_edge_bwd_conf())(
        v16, sh16, gm16, dh2, w1p, w2, w2t, w1t)
    dpr, dps = _sc_scatter_dvec(dvec, rcv2d, snd2d, z16)
    forces16, mn = pl.pallas_call(_force_body, **_force_conf())(
        dpr[0], dpr[1], dps[0], dps[1], pos16, gm8)

    graph_energies = ge[0, :3]
    forces = forces16[:, :3]
    mnode = jnp.stack([mn[3 * g:3 * g + 3, :3] for g in range(N_GRAPHS)])
    d_cell = jnp.stack([sm[3 * g:3 * g + 3, :3] for g in range(N_GRAPHS)])
    m_full = mnode + jnp.einsum('gki,gkj->gij', cell.astype(f32), d_cell)
    pseudo = 0.5 * (m_full + m_full.transpose(0, 2, 1))
    det = jnp.linalg.det(cell.astype(f32))[:, None, None]
    det = jnp.where(det > 0.0, det, 1.0)
    stress = pseudo / det
    pressure = -(1.0 / 3.0) * jnp.trace(stress, axis1=1, axis2=2)
    return graph_energies, forces, stress, pressure

# --- scband reference (transcript-rebuilt; emitter-appended) ---
"""Pipeline reference for scband-force-field-predictor-33586644255276 (READ-ONLY COPY).

The authoritative reference and input builder live on the scoring server;
editing this copy changes nothing except your own understanding.
"""

import jax, jax.numpy as jnp
import numpy as np

N_NODES = 10000
N_EDGES = 160000
N_GRAPHS = 3
D_FEAT = 128
N_SPECIES = 64


def setup_inputs(seed: int = 0) -> dict:
    key = jax.random.key(seed)
    ks = jax.random.split(key, 12)
    positions = jax.random.normal(ks[0], (N_NODES, 3), dtype=jnp.float32) * 5.0
    species = jax.random.randint(ks[1], (N_NODES,), 0, N_SPECIES)
    senders = jax.random.randint(ks[2], (N_EDGES,), 0, N_NODES)
    receivers = jax.random.randint(ks[3], (N_EDGES,), 0, N_NODES)
    shifts = jax.random.randint(ks[4], (N_EDGES, 3), -1, 2).astype(jnp.float32)
    cell = jnp.tile((10.0 * jnp.eye(3, dtype=jnp.float32))[None], (N_GRAPHS, 1, 1))
    cell = cell + 0.01 * jax.random.normal(ks[5], (N_GRAPHS, 3, 3), dtype=jnp.float32)
    n_node = jnp.array([5000, 4500, 500], dtype=jnp.int32)
    n_edge = jnp.array([80000, 72000, 8000], dtype=jnp.int32)
    W_edge1 = jax.random.normal(ks[6], (3, D_FEAT), dtype=jnp.float32) * (1.0 / np.sqrt(3.0))
    W_edge2 = jax.random.normal(ks[7], (D_FEAT, D_FEAT), dtype=jnp.float32) * (1.0 / np.sqrt(D_FEAT))
    species_emb = jax.random.normal(ks[8], (N_SPECIES, D_FEAT), dtype=jnp.float32) * 0.1
    W_node1 = jax.random.normal(ks[9], (D_FEAT, D_FEAT), dtype=jnp.float32) * (1.0 / np.sqrt(D_FEAT))
    W_node2 = jax.random.normal(ks[10], (D_FEAT, 1), dtype=jnp.float32) * (1.0 / np.sqrt(D_FEAT))
    return {"positions": positions, "shifts": shifts, "cell": cell,
            "W_edge1": W_edge1, "W_edge2": W_edge2, "species_emb": species_emb,
            "W_node1": W_node1, "W_node2": W_node2,
            "species": species, "senders": senders, "receivers": receivers,
            "n_node": n_node, "n_edge": n_edge}


def reference(positions, shifts, cell, W_edge1, W_edge2, species_emb, W_node1, W_node2,
              species, senders, receivers, n_node, n_edge):
    G = cell.shape[0]
    N = positions.shape[0]
    E = senders.shape[0]
    node_gidx = jnp.repeat(jnp.arange(G), n_node, total_repeat_length=N)
    edge_gidx = jnp.repeat(jnp.arange(G), n_edge, total_repeat_length=E)
    # jraph-style padding mask: last graph is the dummy/padding graph
    padding_mask = (node_gidx < (G - 1)).astype(positions.dtype)

    def compute_energy(pos, strains):
        # _apply_strains
        symm = 0.5 * (strains + strains.transpose(0, 2, 1))
        strains_rep = symm[node_gidx]
        p = pos + jnp.einsum('ni,nij->nj', pos, strains_rep)
        c = cell + cell @ symm
        # get_edge_relative_vectors
        vectors = p[receivers] - p[senders] + jnp.einsum('ei,eij->ej', shifts, c[edge_gidx])
        # mlip_network: edge MLP -> scatter-sum to receiver nodes -> node MLP
        h = jax.nn.silu(vectors @ W_edge1)
        h = jax.nn.silu(h @ W_edge2)
        node_feat = jax.ops.segment_sum(h, receivers, num_segments=N)
        node_feat = node_feat + species_emb[species]
        node_energies = (jax.nn.silu(node_feat @ W_node1) @ W_node2)[:, 0]
        node_energies = node_energies * padding_mask
        total_energy = jnp.sum(node_energies)
        graph_energies = jax.ops.segment_sum(node_energies, node_gidx, num_segments=G)
        return total_energy, graph_energies

    strains = jnp.zeros_like(cell)
    (minus_forces, pseudo_stress), graph_energies = jax.grad(
        compute_energy, (0, 1), has_aux=True)(positions, strains)
    forces = -minus_forces
    det = jnp.linalg.det(cell)[:, None, None]
    det = jnp.where(det > 0.0, det, 1.0)
    stress = pseudo_stress / det
    pressure = -(1.0 / 3.0) * jnp.trace(stress, axis1=1, axis2=2)
    return graph_energies, forces, stress, pressure

if __name__ == "__main__":
    import jax
    _d = setup_inputs()
    print(jax.jit(kernel)(*tuple(_d.values())))

</pallas_src>

<mosaic_0001>
#map = affine_map<(d0, d1) -> (0, 0)>
module attributes {stable_mosaic.version = 14 : i64} {
  func.func @run(%arg0: i32, %arg1: i32, %arg2: memref<10000x16xf32, #tpu.memory_space<hbm>>, %arg3: memref<1280x128xi32, #tpu.memory_space<hbm>>, %arg4: memref<1280x128xi32, #tpu.memory_space<hbm>>, %arg5: memref<163840x16xf32, #tpu.memory_space<hbm>>, %arg6: memref<163840x16xf32, #tpu.memory_space<hbm>>, %arg7: memref<40x128xi32, #tpu.memory_space<vmem>>, %arg8: memref<5120x16xf32, #tpu.memory_space<vmem>>, %arg9: memref<!tpu.dma_semaphore, #tpu.memory_space<semaphore_mem>>) attributes {dimension_semantics = [#tpu.dimension_semantics<core_parallel>, #tpu.dimension_semantics<subcore_parallel>], iteration_bounds = array<i64: 2, 16>, scalar_prefetch = 0 : i64, scratch_operands = 3 : i64, tpu.core_type = #tpu.core_type<sc_vector_subcore>, window_params = [{transform_indices = #map}, {transform_indices = #map}, {transform_indices = #map}, {transform_indices = #map}, {transform_indices = #map}]} {
    %mul3A = arith.constant 2 : i32
    %mul3A_0 = arith.muli %arg1, %mul3A : i32
    %add3A = arith.addi %mul3A_0, %arg0 : i32
    %mul3A_1 = arith.constant 5120 : i32
    %mul3A_2 = arith.muli %add3A, %mul3A_1 : i32
    %jit3A = arith.constant 128 : i32
    %div3A = arith.divsi %mul3A_2, %jit3A : i32
    %sign3A = arith.constant 0 : i32
    %sign3A_3 = arith.cmpi sgt, %mul3A_2, %sign3A : i32
    %sign3A_4 = arith.extui %sign3A_3 : i1 to i32
    %sign3A_5 = arith.constant 0 : i32
    %sign3A_6 = arith.cmpi slt, %mul3A_2, %sign3A_5 : i32
    %sign3A_7 = arith.extui %sign3A_6 : i1 to i32
    %sign3A_8 = arith.subi %sign3A_4, %sign3A_7 : i32
    %sign3A_9 = arith.constant 0 : i32
    %sign3A_10 = arith.cmpi sgt, %jit3A, %sign3A_9 : i32
    %sign3A_11 = arith.extui %sign3A_10 : i1 to i32
    %sign3A_12 = arith.constant 0 : i32
    %sign3A_13 = arith.cmpi slt, %jit3A, %sign3A_12 : i32
    %sign3A_14 = arith.extui %sign3A_13 : i1 to i32
    %sign3A_15 = arith.subi %sign3A_11, %sign3A_14 : i32
    %ne3A = arith.cmpi ne, %sign3A_8, %sign3A_15 : i32
    %rem3A = arith.remsi %mul3A_2, %jit3A : i32
    %ne3A_16 = arith.constant 0 : i32
    %ne3A_17 = arith.cmpi ne, %rem3A, %ne3A_16 : i32
    %and3A = arith.andi %ne3A, %ne3A_17 : i1
    %sub3A = arith.constant 1 : i32
    %sub3A_18 = arith.subi %div3A, %sub3A : i32
    %select_n3A = arith.select %and3A, %sub3A_18, %div3A : i32
    "tpu.region"() ({
      %run_scoped3A = tpu.sem_alloc : memref<!tpu.dma_semaphore, #tpu.memory_space<semaphore_mem>>
      %dma_start3A = arith.constant 0 : i32
      %dma_start3A_37 = tpu.memref_slice %arg3[%select_n3A, %dma_start3A] : memref<1280x128xi32, #tpu.memory_space<hbm>> -> memref<40x128xi32, #tpu.memory_space<hbm>>
      %dma_start3A_38 = arith.constant 0 : i32
      %dma_start3A_39 = tpu.memref_slice %arg3[%select_n3A, %dma_start3A_38] : memref<1280x128xi32, #tpu.memory_space<hbm>> -> memref<40x128xi32, #tpu.memory_space<hbm>>
      tpu.enqueue_dma source(%dma_start3A_39 : memref<40x128xi32, #tpu.memory_space<hbm>>) target(%arg7 : memref<40x128xi32, #tpu.memory_space<vmem>>) target_semaphore(%run_scoped3A : memref<!tpu.dma_semaphore, #tpu.memory_space<semaphore_mem>>)
      %dma_wait3A_40 = arith.constant 0 : i32
      %dma_wait3A_41 = tpu.memref_slice %arg3[%select_n3A, %dma_wait3A_40] : memref<1280x128xi32, #tpu.memory_space<hbm>> -> memref<40x128xi32, #tpu.memory_space<hbm>>
      %dma_wait3A_42 = arith.constant 0 : i32
      %dma_wait3A_43 = tpu.memref_slice %arg3[%select_n3A, %dma_wait3A_42] : memref<1280x128xi32, #tpu.memory_space<hbm>> -> memref<40x128xi32, #tpu.memory_space<hbm>>
      tpu.wait_dma2 semaphore(%run_scoped3A : memref<!tpu.dma_semaphore, #tpu.memory_space<semaphore_mem>>) src(%dma_wait3A_43 : memref<40x128xi32, #tpu.memory_space<hbm>>) dst(%arg7 : memref<40x128xi32, #tpu.memory_space<vmem>>)
      tpu.yield
    }) : () -> ()
    %scan3A = arith.constant 0 : i32
    %scan3A_19 = arith.constant 0 : i32
    %scan3A_20 = arith.constant 40 : i32
    %scan3A_21 = arith.addi %scan3A_19, %scan3A_20 : i32
    %scan3A_22 = arith.constant 1 : i32
    scf.for %scan3A_37 = %scan3A_19 to %scan3A_21 step %scan3A_22  : i32 {
      %mul3A_38 = arith.constant 128 : i32
      %mul3A_39 = arith.muli %scan3A_37, %mul3A_38 : i32
      %dma_start3A = arith.constant 0 : i32
      %dma_start3A_40 = tpu.memref_slice %arg8[%mul3A_39, %dma_start3A] : memref<5120x16xf32, #tpu.memory_space<vmem>> -> memref<128x16xf32, #tpu.memory_space<vmem>>
      %dma_start3A_41 = arith.constant 0 : i32
      %dma_start3A_42 = tpu.memref_slice %arg7[%scan3A_37, %dma_start3A_41] : memref<40x128xi32, #tpu.memory_space<vmem>> -> memref<1x128xi32, #tpu.memory_space<vmem>>
      %dma_start3A_43 = tpu.memref_squeeze %dma_start3A_42 : memref<1x128xi32, #tpu.memory_space<vmem>> -> memref<128xi32, #tpu.memory_space<vmem>>
      %dma_start3A_44 = arith.constant 0 : i32
      %dma_start3A_45 = arith.constant 0 : i32
      %dma_start3A_46 = tpu.memref_slice %arg2[%dma_start3A_44, %dma_start3A_45] : memref<10000x16xf32, #tpu.memory_space<hbm>> -> memref<10000x16xf32, #tpu.memory_space<hbm>>
      tpu.enqueue_indirect_dma source(%dma_start3A_46 : memref<10000x16xf32, #tpu.memory_space<hbm>>) target(%dma_start3A_40 : memref<128x16xf32, #tpu.memory_space<vmem>>) offsets(%dma_start3A_43 : memref<128xi32, #tpu.memory_space<vmem>>) semaphore(%arg9 : memref<!tpu.dma_semaphore, #tpu.memory_space<semaphore_mem>>)
    }
    %scan3A_23 = arith.constant 40 : i32
    %dma_wait3A = arith.constant 0 : i32
    %dma_wait3A_24 = tpu.memref_slice %arg5[%mul3A_2, %dma_wait3A] : memref<163840x16xf32, #tpu.memory_space<hbm>> -> memref<5120x16xf32, #tpu.memory_space<hbm>>
    %dma_wait3A_25 = arith.constant 0 : i32
    %dma_wait3A_26 = tpu.memref_slice %arg5[%mul3A_2, %dma_wait3A_25] : memref<163840x16xf32, #tpu.memory_space<hbm>> -> memref<5120x16xf32, #tpu.memory_space<hbm>>
    tpu.wait_dma2 semaphore(%arg9 : memref<!tpu.dma_semaphore, #tpu.memory_space<semaphore_mem>>) src(%dma_wait3A_26 : memref<5120x16xf32, #tpu.memory_space<hbm>>) dst(%arg8 : memref<5120x16xf32, #tpu.memory_space<vmem>>)
    "tpu.region"() ({
      %run_scoped3A = tpu.sem_alloc : memref<!tpu.dma_semaphore, #tpu.memory_space<semaphore_mem>>
      %dma_start3A = arith.constant 0 : i32
      %dma_start3A_37 = tpu.memref_slice %arg5[%mul3A_2, %dma_start3A] : memref<163840x16xf32, #tpu.memory_space<hbm>> -> memref<5120x16xf32, #tpu.memory_space<hbm>>
      %dma_start3A_38 = arith.constant 0 : i32
      %dma_start3A_39 = tpu.memref_slice %arg5[%mul3A_2, %dma_start3A_38] : memref<163840x16xf32, #tpu.memory_space<hbm>> -> memref<5120x16xf32, #tpu.memory_space<hbm>>
      tpu.enqueue_dma source(%arg8 : memref<5120x16xf32, #tpu.memory_space<vmem>>) target(%dma_start3A_39 : memref<5120x16xf32, #tpu.memory_space<hbm>>) target_semaphore(%run_scoped3A : memref<!tpu.dma_semaphore, #tpu.memory_space<semaphore_mem>>)
      %dma_wait3A_40 = arith.constant 0 : i32
      %dma_wait3A_41 = tpu.memref_slice %arg5[%mul3A_2, %dma_wait3A_40] : memref<163840x16xf32, #tpu.memory_space<hbm>> -> memref<5120x16xf32, #tpu.memory_space<hbm>>
      %dma_wait3A_42 = arith.constant 0 : i32
      %dma_wait3A_43 = tpu.memref_slice %arg5[%mul3A_2, %dma_wait3A_42] : memref<163840x16xf32, #tpu.memory_space<hbm>> -> memref<5120x16xf32, #tpu.memory_space<hbm>>
      tpu.wait_dma2 semaphore(%run_scoped3A : memref<!tpu.dma_semaphore, #tpu.memory_space<semaphore_mem>>) src(%arg8 : memref<5120x16xf32, #tpu.memory_space<vmem>>) dst(%dma_wait3A_43 : memref<5120x16xf32, #tpu.memory_space<hbm>>)
      tpu.yield
    }) : () -> ()
    "tpu.region"() ({
      %run_scoped3A = tpu.sem_alloc : memref<!tpu.dma_semaphore, #tpu.memory_space<semaphore_mem>>
      %dma_start3A = arith.constant 0 : i32
      %dma_start3A_37 = tpu.memref_slice %arg4[%select_n3A, %dma_start3A] : memref<1280x128xi32, #tpu.memory_space<hbm>> -> memref<40x128xi32, #tpu.memory_space<hbm>>
      %dma_start3A_38 = arith.constant 0 : i32
      %dma_start3A_39 = tpu.memref_slice %arg4[%select_n3A, %dma_start3A_38] : memref<1280x128xi32, #tpu.memory_space<hbm>> -> memref<40x128xi32, #tpu.memory_space<hbm>>
      tpu.enqueue_dma source(%dma_start3A_39 : memref<40x128xi32, #tpu.memory_space<hbm>>) target(%arg7 : memref<40x128xi32, #tpu.memory_space<vmem>>) target_semaphore(%run_scoped3A : memref<!tpu.dma_semaphore, #tpu.memory_space<semaphore_mem>>)
      %dma_wait3A_40 = arith.constant 0 : i32
      %dma_wait3A_41 = tpu.memref_slice %arg4[%select_n3A, %dma_wait3A_40] : memref<1280x128xi32, #tpu.memory_space<hbm>> -> memref<40x128xi32, #tpu.memory_space<hbm>>
      %dma_wait3A_42 = arith.constant 0 : i32
      %dma_wait3A_43 = tpu.memref_slice %arg4[%select_n3A, %dma_wait3A_42] : memref<1280x128xi32, #tpu.memory_space<hbm>> -> memref<40x128xi32, #tpu.memory_space<hbm>>
      tpu.wait_dma2 semaphore(%run_scoped3A : memref<!tpu.dma_semaphore, #tpu.memory_space<semaphore_mem>>) src(%dma_wait3A_43 : memref<40x128xi32, #tpu.memory_space<hbm>>) dst(%arg7 : memref<40x128xi32, #tpu.memory_space<vmem>>)
      tpu.yield
    }) : () -> ()
    %scan3A_27 = arith.constant 0 : i32
    %scan3A_28 = arith.constant 0 : i32
    %scan3A_29 = arith.constant 40 : i32
    %scan3A_30 = arith.addi %scan3A_28, %scan3A_29 : i32
    %scan3A_31 = arith.constant 1 : i32
    scf.for %scan3A_37 = %scan3A_28 to %scan3A_30 step %scan3A_31  : i32 {
      %mul3A_38 = arith.constant 128 : i32
      %mul3A_39 = arith.muli %scan3A_37, %mul3A_38 : i32
      %dma_start3A = arith.constant 0 : i32
      %dma_start3A_40 = tpu.memref_slice %arg8[%mul3A_39, %dma_start3A] : memref<5120x16xf32, #tpu.memory_space<vmem>> -> memref<128x16xf32, #tpu.memory_space<vmem>>
      %dma_start3A_41 = arith.constant 0 : i32
      %dma_start3A_42 = tpu.memref_slice %arg7[%scan3A_37, %dma_start3A_41] : memref<40x128xi32, #tpu.memory_space<vmem>> -> memref<1x128xi32, #tpu.memory_space<vmem>>
      %dma_start3A_43 = tpu.memref_squeeze %dma_start3A_42 : memref<1x128xi32, #tpu.memory_space<vmem>> -> memref<128xi32, #tpu.memory_space<vmem>>
      %dma_start3A_44 = arith.constant 0 : i32
      %dma_start3A_45 = arith.constant 0 : i32
      %dma_start3A_46 = tpu.memref_slice %arg2[%dma_start3A_44, %dma_start3A_45] : memref<10000x16xf32, #tpu.memory_space<hbm>> -> memref<10000x16xf32, #tpu.memory_space<hbm>>
      tpu.enqueue_indirect_dma source(%dma_start3A_46 : memref<10000x16xf32, #tpu.memory_space<hbm>>) target(%dma_start3A_40 : memref<128x16xf32, #tpu.memory_space<vmem>>) offsets(%dma_start3A_43 : memref<128xi32, #tpu.memory_space<vmem>>) semaphore(%arg9 : memref<!tpu.dma_semaphore, #tpu.memory_space<semaphore_mem>>)
    }
    %scan3A_32 = arith.constant 40 : i32
    %dma_wait3A_33 = arith.constant 0 : i32
    %dma_wait3A_34 = tpu.memref_slice %arg6[%mul3A_2, %dma_wait3A_33] : memref<163840x16xf32, #tpu.memory_space<hbm>> -> memref<5120x16xf32, #tpu.memory_space<hbm>>
    %dma_wait3A_35 = arith.constant 0 : i32
    %dma_wait3A_36 = tpu.memref_slice %arg6[%mul3A_2, %dma_wait3A_35] : memref<163840x16xf32, #tpu.memory_space<hbm>> -> memref<5120x16xf32, #tpu.memory_space<hbm>>
    tpu.wait_dma2 semaphore(%arg9 : memref<!tpu.dma_semaphore, #tpu.memory_space<semaphore_mem>>) src(%dma_wait3A_36 : memref<5120x16xf32, #tpu.memory_space<hbm>>) dst(%arg8 : memref<5120x16xf32, #tpu.memory_space<vmem>>)
    "tpu.region"() ({
      %run_scoped3A = tpu.sem_alloc : memref<!tpu.dma_semaphore, #tpu.memory_space<semaphore_mem>>
      %dma_start3A = arith.constant 0 : i32
      %dma_start3A_37 = tpu.memref_slice %arg6[%mul3A_2, %dma_start3A] : memref<163840x16xf32, #tpu.memory_space<hbm>> -> memref<5120x16xf32, #tpu.memory_space<hbm>>
      %dma_start3A_38 = arith.constant 0 : i32
      %dma_start3A_39 = tpu.memref_slice %arg6[%mul3A_2, %dma_start3A_38] : memref<163840x16xf32, #tpu.memory_space<hbm>> -> memref<5120x16xf32, #tpu.memory_space<hbm>>
      tpu.enqueue_dma source(%arg8 : memref<5120x16xf32, #tpu.memory_space<vmem>>) target(%dma_start3A_39 : memref<5120x16xf32, #tpu.memory_space<hbm>>) target_semaphore(%run_scoped3A : memref<!tpu.dma_semaphore, #tpu.memory_space<semaphore_mem>>)
      %dma_wait3A_40 = arith.constant 0 : i32
      %dma_wait3A_41 = tpu.memref_slice %arg6[%mul3A_2, %dma_wait3A_40] : memref<163840x16xf32, #tpu.memory_space<hbm>> -> memref<5120x16xf32, #tpu.memory_space<hbm>>
      %dma_wait3A_42 = arith.constant 0 : i32
      %dma_wait3A_43 = tpu.memref_slice %arg6[%mul3A_2, %dma_wait3A_42] : memref<163840x16xf32, #tpu.memory_space<hbm>> -> memref<5120x16xf32, #tpu.memory_space<hbm>>
      tpu.wait_dma2 semaphore(%run_scoped3A : memref<!tpu.dma_semaphore, #tpu.memory_space<semaphore_mem>>) src(%arg8 : memref<5120x16xf32, #tpu.memory_space<vmem>>) dst(%dma_wait3A_43 : memref<5120x16xf32, #tpu.memory_space<hbm>>)
      tpu.yield
    }) : () -> ()
    return
  }
}

#map = affine_map<(d0, d1) -> (0, 0)>
#map1 = affine_map<(d0, d1) -> (0, 0, 0)>
module attributes {stable_mosaic.version = 14 : i64} {
  func.func @run(%arg0: i32, %arg1: i32, %arg2: memref<163840x128xf32, #tpu.memory_space<hbm>>, %arg3: memref<1280x128xi32, #tpu.memory_space<hbm>>, %arg4: memref<625x128xf32, #tpu.memory_space<hbm>>, %arg5: memref<2x10000x128xf32, #tpu.memory_space<hbm>>, %arg6: memref<10000x128xf32, #tpu.memory_space<vmem_shared>>, %arg7: memref<40x128xi32, #tpu.memory_space<vmem>>, %arg8: memref<256x128xf32, #tpu.memory_space<vmem>>, %arg9: memref<!tpu.dma_semaphore, #tpu.memory_space<semaphore_mem>>) attributes {dimension_semantics = [#tpu.dimension_semantics<core_parallel>, #tpu.dimension_semantics<subcore_parallel>], iteration_bounds = array<i64: 2, 16>, scalar_prefetch = 0 : i64, scratch_operands = 4 : i64, tpu.core_type = #tpu.core_type<sc_vector_subcore>, window_params = [{transform_indices = #map}, {transform_indices = #map}, {transform_indices = #map}, {transform_indices = #map1}]} {
    %mul3A = arith.constant 2 : i32
    %mul3A_0 = arith.muli %arg1, %mul3A : i32
    %add3A = arith.addi %mul3A_0, %arg0 : i32
    %mul3A_1 = arith.constant 5120 : i32
    %mul3A_2 = arith.muli %add3A, %mul3A_1 : i32
    %jit3A = arith.constant 128 : i32
    %div3A = arith.divsi %mul3A_2, %jit3A : i32
    %sign3A = arith.constant 0 : i32
    %sign3A_3 = arith.cmpi sgt, %mul3A_2, %sign3A : i32
    %sign3A_4 = arith.extui %sign3A_3 : i1 to i32
    %sign3A_5 = arith.constant 0 : i32
    %sign3A_6 = arith.cmpi slt, %mul3A_2, %sign3A_5 : i32
    %sign3A_7 = arith.extui %sign3A_6 : i1 to i32
    %sign3A_8 = arith.subi %sign3A_4, %sign3A_7 : i32
    %sign3A_9 = arith.constant 0 : i32
    %sign3A_10 = arith.cmpi sgt, %jit3A, %sign3A_9 : i32
    %sign3A_11 = arith.extui %sign3A_10 : i1 to i32
    %sign3A_12 = arith.constant 0 : i32
    %sign3A_13 = arith.cmpi slt, %jit3A, %sign3A_12 : i32
    %sign3A_14 = arith.extui %sign3A_13 : i1 to i32
    %sign3A_15 = arith.subi %sign3A_11, %sign3A_14 : i32
    %ne3A = arith.cmpi ne, %sign3A_8, %sign3A_15 : i32
    %rem3A = arith.remsi %mul3A_2, %jit3A : i32
    %ne3A_16 = arith.constant 0 : i32
    %ne3A_17 = arith.cmpi ne, %rem3A, %ne3A_16 : i32
    %and3A = arith.andi %ne3A, %ne3A_17 : i1
    %sub3A = arith.constant 1 : i32
    %sub3A_18 = arith.subi %div3A, %sub3A : i32
    %select_n3A = arith.select %and3A, %sub3A_18, %div3A : i32
    %mul3A_19 = arith.constant 625 : i32
    %mul3A_20 = arith.muli %arg1, %mul3A_19 : i32
    "tpu.region"() ({
      %run_scoped3A = tpu.sem_alloc : memref<!tpu.dma_semaphore, #tpu.memory_space<semaphore_mem>>
      %dma_start3A = arith.constant 0 : i32
      %dma_start3A_27 = tpu.memref_slice %arg3[%select_n3A, %dma_start3A] : memref<1280x128xi32, #tpu.memory_space<hbm>> -> memref<40x128xi32, #tpu.memory_space<hbm>>
      %dma_start3A_28 = arith.constant 0 : i32
      %dma_start3A_29 = tpu.memref_slice %arg3[%select_n3A, %dma_start3A_28] : memref<1280x128xi32, #tpu.memory_space<hbm>> -> memref<40x128xi32, #tpu.memory_space<hbm>>
      tpu.enqueue_dma source(%dma_start3A_29 : memref<40x128xi32, #tpu.memory_space<hbm>>) target(%arg7 : memref<40x128xi32, #tpu.memory_space<vmem>>) target_semaphore(%run_scoped3A : memref<!tpu.dma_semaphore, #tpu.memory_space<semaphore_mem>>)
      %dma_wait3A = arith.constant 0 : i32
      %dma_wait3A_30 = tpu.memref_slice %arg3[%select_n3A, %dma_wait3A] : memref<1280x128xi32, #tpu.memory_space<hbm>> -> memref<40x128xi32, #tpu.memory_space<hbm>>
      %dma_wait3A_31 = arith.constant 0 : i32
      %dma_wait3A_32 = tpu.memref_slice %arg3[%select_n3A, %dma_wait3A_31] : memref<1280x128xi32, #tpu.memory_space<hbm>> -> memref<40x128xi32, #tpu.memory_space<hbm>>
      tpu.wait_dma2 semaphore(%run_scoped3A : memref<!tpu.dma_semaphore, #tpu.memory_space<semaphore_mem>>) src(%dma_wait3A_32 : memref<40x128xi32, #tpu.memory_space<hbm>>) dst(%arg7 : memref<40x128xi32, #tpu.memory_space<vmem>>)
      tpu.yield
    }) : () -> ()
    "tpu.region"() ({
      %run_scoped3A = tpu.sem_alloc : memref<!tpu.dma_semaphore, #tpu.memory_space<semaphore_mem>>
      %dma_start3A = arith.constant 0 : i32
      %dma_start3A_27 = tpu.memref_slice %arg6[%mul3A_20, %dma_start3A] : memref<10000x128xf32, #tpu.memory_space<vmem_shared>> -> memref<625x128xf32, #tpu.memory_space<vmem_shared>>
      tpu.enqueue_dma source(%arg4 : memref<625x128xf32, #tpu.memory_space<hbm>>) target(%dma_start3A_27 : memref<625x128xf32, #tpu.memory_space<vmem_shared>>) target_semaphore(%run_scoped3A : memref<!tpu.dma_semaphore, #tpu.memory_space<semaphore_mem>>)
      %dma_wait3A = arith.constant 0 : i32
      %dma_wait3A_28 = tpu.memref_slice %arg6[%mul3A_20, %dma_wait3A] : memref<10000x128xf32, #tpu.memory_space<vmem_shared>> -> memref<625x128xf32, #tpu.memory_space<vmem_shared>>
      tpu.wait_dma2 semaphore(%run_scoped3A : memref<!tpu.dma_semaphore, #tpu.memory_space<semaphore_mem>>) src(%arg4 : memref<625x128xf32, #tpu.memory_space<hbm>>) dst(%dma_wait3A_28 : memref<625x128xf32, #tpu.memory_space<vmem_shared>>)
      tpu.yield
    }) : () -> ()
    %barrier3A = arith.constant 0 : index
    tpu.barrier barrier_id(%barrier3A)
    %scan3A = arith.constant 0 : i32
    %scan3A_21 = arith.constant 0 : i32
    %scan3A_22 = arith.constant 20 : i32
    %scan3A_23 = arith.addi %scan3A_21, %scan3A_22 : i32
    %scan3A_24 = arith.constant 1 : i32
    scf.for %scan3A_27 = %scan3A_21 to %scan3A_23 step %scan3A_24  : i32 {
      %mul3A_28 = arith.constant 2 : i32
      %mul3A_29 = arith.muli %scan3A_27, %mul3A_28 : i32
      %add3A_30 = arith.constant 0 : i32
      %add3A_31 = arith.addi %mul3A_29, %add3A_30 : i32
      %mul3A_32 = arith.constant 128 : i32
      %mul3A_33 = arith.muli %add3A_31, %mul3A_32 : i32
      %add3A_34 = arith.addi %mul3A_2, %mul3A_33 : i32
      %dma_start3A = arith.constant 0 : i32
      %dma_start3A_35 = arith.constant 0 : i32
      %dma_start3A_36 = tpu.memref_slice %arg8[%dma_start3A, %dma_start3A_35] : memref<256x128xf32, #tpu.memory_space<vmem>> -> memref<128x128xf32, #tpu.memory_space<vmem>>
      %dma_start3A_37 = arith.constant 0 : i32
      %dma_start3A_38 = tpu.memref_slice %arg2[%add3A_34, %dma_start3A_37] : memref<163840x128xf32, #tpu.memory_space<hbm>> -> memref<128x128xf32, #tpu.memory_space<hbm>>
      %dma_start3A_39 = arith.constant 0 : i32
      %dma_start3A_40 = arith.constant 0 : i32
      %dma_start3A_41 = tpu.memref_slice %arg8[%dma_start3A_39, %dma_start3A_40] : memref<256x128xf32, #tpu.memory_space<vmem>> -> memref<128x128xf32, #tpu.memory_space<vmem>>
      %dma_start3A_42 = arith.constant 0 : i32
      %dma_start3A_43 = tpu.memref_slice %arg2[%add3A_34, %dma_start3A_42] : memref<163840x128xf32, #tpu.memory_space<hbm>> -> memref<128x128xf32, #tpu.memory_space<hbm>>
      tpu.enqueue_dma source(%dma_start3A_43 : memref<128x128xf32, #tpu.memory_space<hbm>>) target(%dma_start3A_41 : memref<128x128xf32, #tpu.memory_space<vmem>>) target_semaphore(%arg9 : memref<!tpu.dma_semaphore, #tpu.memory_space<semaphore_mem>>)
      %mul3A_44 = arith.constant 2 : i32
      %mul3A_45 = arith.muli %scan3A_27, %mul3A_44 : i32
      %add3A_46 = arith.constant 1 : i32
      %add3A_47 = arith.addi %mul3A_45, %add3A_46 : i32
      %mul3A_48 = arith.constant 128 : i32
      %mul3A_49 = arith.muli %add3A_47, %mul3A_48 : i32
      %add3A_50 = arith.addi %mul3A_2, %mul3A_49 : i32
      %dma_start3A_51 = arith.constant 128 : i32
      %dma_start3A_52 = arith.constant 0 : i32
      %dma_start3A_53 = tpu.memref_slice %arg8[%dma_start3A_51, %dma_start3A_52] : memref<256x128xf32, #tpu.memory_space<vmem>> -> memref<128x128xf32, #tpu.memory_space<vmem>>
      %dma_start3A_54 = arith.constant 0 : i32
      %dma_start3A_55 = tpu.memref_slice %arg2[%add3A_50, %dma_start3A_54] : memref<163840x128xf32, #tpu.memory_space<hbm>> -> memref<128x128xf32, #tpu.memory_space<hbm>>
      %dma_start3A_56 = arith.constant 128 : i32
      %dma_start3A_57 = arith.constant 0 : i32
      %dma_start3A_58 = tpu.memref_slice %arg8[%dma_start3A_56, %dma_start3A_57] : memref<256x128xf32, #tpu.memory_space<vmem>> -> memref<128x128xf32, #tpu.memory_space<vmem>>
      %dma_start3A_59 = arith.constant 0 : i32
      %dma_start3A_60 = tpu.memref_slice %arg2[%add3A_50, %dma_start3A_59] : memref<163840x128xf32, #tpu.memory_space<hbm>> -> memref<128x128xf32, #tpu.memory_space<hbm>>
      tpu.enqueue_dma source(%dma_start3A_60 : memref<128x128xf32, #tpu.memory_space<hbm>>) target(%dma_start3A_58 : memref<128x128xf32, #tpu.memory_space<vmem>>) target_semaphore(%arg9 : memref<!tpu.dma_semaphore, #tpu.memory_space<semaphore_mem>>)
      %dma_wait3A = arith.constant 0 : i32
      %dma_wait3A_61 = tpu.memref_slice %arg2[%mul3A_2, %dma_wait3A] : memref<163840x128xf32, #tpu.memory_space<hbm>> -> memref<256x128xf32, #tpu.memory_space<hbm>>
      %dma_wait3A_62 = arith.constant 0 : i32
      %dma_wait3A_63 = tpu.memref_slice %arg2[%mul3A_2, %dma_wait3A_62] : memref<163840x128xf32, #tpu.memory_space<hbm>> -> memref<256x128xf32, #tpu.memory_space<hbm>>
      tpu.wait_dma2 semaphore(%arg9 : memref<!tpu.dma_semaphore, #tpu.memory_space<semaphore_mem>>) src(%dma_wait3A_63 : memref<256x128xf32, #tpu.memory_space<hbm>>) dst(%arg8 : memref<256x128xf32, #tpu.memory_space<vmem>>)
      %mul3A_64 = arith.constant 2 : i32
      %mul3A_65 = arith.muli %scan3A_27, %mul3A_64 : i32
      %add3A_66 = arith.constant 0 : i32
      %add3A_67 = arith.addi %mul3A_65, %add3A_66 : i32
      "tpu.region"() ({
        %run_scoped3A = tpu.sem_alloc : memref<!tpu.dma_semaphore, #tpu.memory_space<semaphore_mem>>
        %dma_start3A_72 = arith.constant 0 : i32
        %dma_start3A_73 = arith.constant 0 : i32
        %dma_start3A_74 = tpu.memref_slice %arg8[%dma_start3A_72, %dma_start3A_73] : memref<256x128xf32, #tpu.memory_space<vmem>> -> memref<128x128xf32, #tpu.memory_space<vmem>>
        %dma_start3A_75 = arith.constant 0 : i32
        %dma_start3A_76 = tpu.memref_slice %arg7[%add3A_67, %dma_start3A_75] : memref<40x128xi32, #tpu.memory_space<vmem>> -> memref<1x128xi32, #tpu.memory_space<vmem>>
        %dma_start3A_77 = tpu.memref_squeeze %dma_start3A_76 : memref<1x128xi32, #tpu.memory_space<vmem>> -> memref<128xi32, #tpu.memory_space<vmem>>
        %dma_start3A_78 = arith.constant 0 : i32
        %dma_start3A_79 = arith.constant 0 : i32
        %dma_start3A_80 = tpu.memref_slice %arg6[%dma_start3A_78, %dma_start3A_79] : memref<10000x128xf32, #tpu.memory_space<vmem_shared>> -> memref<10000x128xf32, #tpu.memory_space<vmem_shared>>
        tpu.enqueue_indirect_dma source(%dma_start3A_74 : memref<128x128xf32, #tpu.memory_space<vmem>>) target(%dma_start3A_80 : memref<10000x128xf32, #tpu.memory_space<vmem_shared>>) offsets(%dma_start3A_77 : memref<128xi32, #tpu.memory_space<vmem>>) semaphore(%run_scoped3A : memref<!tpu.dma_semaphore, #tpu.memory_space<semaphore_mem>>) {add = true}
        %dma_wait3A_81 = arith.constant 0 : i32
        %dma_wait3A_82 = arith.constant 0 : i32
        %dma_wait3A_83 = tpu.memref_slice %arg8[%dma_wait3A_81, %dma_wait3A_82] : memref<256x128xf32, #tpu.memory_space<vmem>> -> memref<128x128xf32, #tpu.memory_space<vmem>>
        %dma_wait3A_84 = arith.constant 0 : i32
        %dma_wait3A_85 = tpu.memref_slice %arg7[%add3A_67, %dma_wait3A_84] : memref<40x128xi32, #tpu.memory_space<vmem>> -> memref<1x128xi32, #tpu.memory_space<vmem>>
        %dma_wait3A_86 = tpu.memref_squeeze %dma_wait3A_85 : memref<1x128xi32, #tpu.memory_space<vmem>> -> memref<128xi32, #tpu.memory_space<vmem>>
        %dma_wait3A_87 = arith.constant 0 : i32
        %dma_wait3A_88 = arith.constant 0 : i32
        %dma_wait3A_89 = tpu.memref_slice %arg6[%dma_wait3A_87, %dma_wait3A_88] : memref<10000x128xf32, #tpu.memory_space<vmem_shared>> -> memref<10000x128xf32, #tpu.memory_space<vmem_shared>>
        tpu.wait_indirect_dma semaphore(%run_scoped3A : memref<!tpu.dma_semaphore, #tpu.memory_space<semaphore_mem>>) src(%dma_wait3A_83 : memref<128x128xf32, #tpu.memory_space<vmem>>) dst(%dma_wait3A_89 : memref<10000x128xf32, #tpu.memory_space<vmem_shared>>)
        tpu.yield
      }) : () -> ()
      %mul3A_68 = arith.constant 2 : i32
      %mul3A_69 = arith.muli %scan3A_27, %mul3A_68 : i32
      %add3A_70 = arith.constant 1 : i32
      %add3A_71 = arith.addi %mul3A_69, %add3A_70 : i32
      "tpu.region"() ({
        %run_scoped3A = tpu.sem_alloc : memref<!tpu.dma_semaphore, #tpu.memory_space<semaphore_mem>>
        %dma_start3A_72 = arith.constant 128 : i32
        %dma_start3A_73 = arith.constant 0 : i32
        %dma_start3A_74 = tpu.memref_slice %arg8[%dma_start3A_72, %dma_start3A_73] : memref<256x128xf32, #tpu.memory_space<vmem>> -> memref<128x128xf32, #tpu.memory_space<vmem>>
        %dma_start3A_75 = arith.constant 0 : i32
        %dma_start3A_76 = tpu.memref_slice %arg7[%add3A_71, %dma_start3A_75] : memref<40x128xi32, #tpu.memory_space<vmem>> -> memref<1x128xi32, #tpu.memory_space<vmem>>
        %dma_start3A_77 = tpu.memref_squeeze %dma_start3A_76 : memref<1x128xi32, #tpu.memory_space<vmem>> -> memref<128xi32, #tpu.memory_space<vmem>>
        %dma_start3A_78 = arith.constant 0 : i32
        %dma_start3A_79 = arith.constant 0 : i32
        %dma_start3A_80 = tpu.memref_slice %arg6[%dma_start3A_78, %dma_start3A_79] : memref<10000x128xf32, #tpu.memory_space<vmem_shared>> -> memref<10000x128xf32, #tpu.memory_space<vmem_shared>>
        tpu.enqueue_indirect_dma source(%dma_start3A_74 : memref<128x128xf32, #tpu.memory_space<vmem>>) target(%dma_start3A_80 : memref<10000x128xf32, #tpu.memory_space<vmem_shared>>) offsets(%dma_start3A_77 : memref<128xi32, #tpu.memory_space<vmem>>) semaphore(%run_scoped3A : memref<!tpu.dma_semaphore, #tpu.memory_space<semaphore_mem>>) {add = true}
        %dma_wait3A_81 = arith.constant 128 : i32
        %dma_wait3A_82 = arith.constant 0 : i32
        %dma_wait3A_83 = tpu.memref_slice %arg8[%dma_wait3A_81, %dma_wait3A_82] : memref<256x128xf32, #tpu.memory_space<vmem>> -> memref<128x128xf32, #tpu.memory_space<vmem>>
        %dma_wait3A_84 = arith.constant 0 : i32
        %dma_wait3A_85 = tpu.memref_slice %arg7[%add3A_71, %dma_wait3A_84] : memref<40x128xi32, #tpu.memory_space<vmem>> -> memref<1x128xi32, #tpu.memory_space<vmem>>
        %dma_wait3A_86 = tpu.memref_squeeze %dma_wait3A_85 : memref<1x128xi32, #tpu.memory_space<vmem>> -> memref<128xi32, #tpu.memory_space<vmem>>
        %dma_wait3A_87 = arith.constant 0 : i32
        %dma_wait3A_88 = arith.constant 0 : i32
        %dma_wait3A_89 = tpu.memref_slice %arg6[%dma_wait3A_87, %dma_wait3A_88] : memref<10000x128xf32, #tpu.memory_space<vmem_shared>> -> memref<10000x128xf32, #tpu.memory_space<vmem_shared>>
        tpu.wait_indirect_dma semaphore(%run_scoped3A : memref<!tpu.dma_semaphore, #tpu.memory_space<semaphore_mem>>) src(%dma_wait3A_83 : memref<128x128xf32, #tpu.memory_space<vmem>>) dst(%dma_wait3A_89 : memref<10000x128xf32, #tpu.memory_space<vmem_shared>>)
        tpu.yield
      }) : () -> ()
    }
    %scan3A_25 = arith.constant 20 : i32
    %barrier3A_26 = arith.constant 0 : index
    tpu.barrier barrier_id(%barrier3A_26)
    "tpu.region"() ({
      %run_scoped3A = tpu.sem_alloc : memref<!tpu.dma_semaphore, #tpu.memory_space<semaphore_mem>>
      %dma_start3A = arith.constant 0 : i32
      %dma_start3A_27 = tpu.memref_slice %arg5[%arg0, %mul3A_20, %dma_start3A] : memref<2x10000x128xf32, #tpu.memory_space<hbm>> -> memref<1x625x128xf32, #tpu.memory_space<hbm>>
      %dma_start3A_28 = tpu.memref_squeeze %dma_start3A_27 : memref<1x625x128xf32, #tpu.memory_space<hbm>> -> memref<625x128xf32, #tpu.memory_space<hbm>>
      %dma_start3A_29 = arith.constant 0 : i32
      %dma_start3A_30 = tpu.memref_slice %arg6[%mul3A_20, %dma_start3A_29] : memref<10000x128xf32, #tpu.memory_space<vmem_shared>> -> memref<625x128xf32, #tpu.memory_space<vmem_shared>>
      tpu.enqueue_dma source(%dma_start3A_30 : memref<625x128xf32, #tpu.memory_space<vmem_shared>>) target(%dma_start3A_28 : memref<625x128xf32, #tpu.memory_space<hbm>>) target_semaphore(%run_scoped3A : memref<!tpu.dma_semaphore, #tpu.memory_space<semaphore_mem>>)
      %dma_wait3A = arith.constant 0 : i32
      %dma_wait3A_31 = tpu.memref_slice %arg5[%arg0, %mul3A_20, %dma_wait3A] : memref<2x10000x128xf32, #tpu.memory_space<hbm>> -> memref<1x625x128xf32, #tpu.memory_space<hbm>>
      %dma_wait3A_32 = tpu.memref_squeeze %dma_wait3A_31 : memref<1x625x128xf32, #tpu.memory_space<hbm>> -> memref<625x128xf32, #tpu.memory_space<hbm>>
      %dma_wait3A_33 = arith.constant 0 : i32
      %dma_wait3A_34 = tpu.memref_slice %arg6[%mul3A_20, %dma_wait3A_33] : memref<10000x128xf32, #tpu.memory_space<vmem_shared>> -> memref<625x128xf32, #tpu.memory_space<vmem_shared>>
      tpu.wait_dma2 semaphore(%run_scoped3A : memref<!tpu.dma_semaphore, #tpu.memory_space<semaphore_mem>>) src(%dma_wait3A_34 : memref<625x128xf32, #tpu.memory_space<vmem_shared>>) dst(%dma_wait3A_32 : memref<625x128xf32, #tpu.memory_space<hbm>>)
      tpu.yield
    }) : () -> ()
    return
  }
}

#map = affine_map<(d0, d1) -> (0, 0)>
#map1 = affine_map<(d0, d1) -> (0, 0, 0)>
module attributes {stable_mosaic.version = 14 : i64} {
  func.func @run(%arg0: i32, %arg1: i32, %arg2: memref<163840x16xf32, #tpu.memory_space<hbm>>, %arg3: memref<1280x128xi32, #tpu.memory_space<hbm>>, %arg4: memref<1280x128xi32, #tpu.memory_space<hbm>>, %arg5: memref<625x16xf32, #tpu.memory_space<hbm>>, %arg6: memref<2x10000x16xf32, #tpu.memory_space<hbm>>, %arg7: memref<2x10000x16xf32, #tpu.memory_space<hbm>>, %arg8: memref<10000x16xf32, #tpu.memory_space<vmem_shared>>, %arg9: memref<10000x16xf32, #tpu.memory_space<vmem_shared>>, %arg10: memref<40x128xi32, #tpu.memory_space<vmem>>, %arg11: memref<40x128xi32, #tpu.memory_space<vmem>>, %arg12: memref<5120x16xf32, #tpu.memory_space<vmem>>, %arg13: memref<!tpu.dma_semaphore, #tpu.memory_space<semaphore_mem>>) attributes {dimension_semantics = [#tpu.dimension_semantics<core_parallel>, #tpu.dimension_semantics<subcore_parallel>], iteration_bounds = array<i64: 2, 16>, scalar_prefetch = 0 : i64, scratch_operands = 6 : i64, tpu.core_type = #tpu.core_type<sc_vector_subcore>, window_params = [{transform_indices = #map}, {transform_indices = #map}, {transform_indices = #map}, {transform_indices = #map}, {transform_indices = #map1}, {transform_indices = #map1}]} {
    %mul3A = arith.constant 2 : i32
    %mul3A_0 = arith.muli %arg1, %mul3A : i32
    %add3A = arith.addi %mul3A_0, %arg0 : i32
    %mul3A_1 = arith.constant 5120 : i32
    %mul3A_2 = arith.muli %add3A, %mul3A_1 : i32
    %jit3A = arith.constant 128 : i32
    %div3A = arith.divsi %mul3A_2, %jit3A : i32
    %sign3A = arith.constant 0 : i32
    %sign3A_3 = arith.cmpi sgt, %mul3A_2, %sign3A : i32
    %sign3A_4 = arith.extui %sign3A_3 : i1 to i32
    %sign3A_5 = arith.constant 0 : i32
    %sign3A_6 = arith.cmpi slt, %mul3A_2, %sign3A_5 : i32
    %sign3A_7 = arith.extui %sign3A_6 : i1 to i32
    %sign3A_8 = arith.subi %sign3A_4, %sign3A_7 : i32
    %sign3A_9 = arith.constant 0 : i32
    %sign3A_10 = arith.cmpi sgt, %jit3A, %sign3A_9 : i32
    %sign3A_11 = arith.extui %sign3A_10 : i1 to i32
    %sign3A_12 = arith.constant 0 : i32
    %sign3A_13 = arith.cmpi slt, %jit3A, %sign3A_12 : i32
    %sign3A_14 = arith.extui %sign3A_13 : i1 to i32
    %sign3A_15 = arith.subi %sign3A_11, %sign3A_14 : i32
    %ne3A = arith.cmpi ne, %sign3A_8, %sign3A_15 : i32
    %rem3A = arith.remsi %mul3A_2, %jit3A : i32
    %ne3A_16 = arith.constant 0 : i32
    %ne3A_17 = arith.cmpi ne, %rem3A, %ne3A_16 : i32
    %and3A = arith.andi %ne3A, %ne3A_17 : i1
    %sub3A = arith.constant 1 : i32
    %sub3A_18 = arith.subi %div3A, %sub3A : i32
    %select_n3A = arith.select %and3A, %sub3A_18, %div3A : i32
    %mul3A_19 = arith.constant 625 : i32
    %mul3A_20 = arith.muli %arg1, %mul3A_19 : i32
    "tpu.region"() ({
      %run_scoped3A = tpu.sem_alloc : memref<!tpu.dma_semaphore, #tpu.memory_space<semaphore_mem>>
      %dma_start3A_33 = arith.constant 0 : i32
      %dma_start3A_34 = tpu.memref_slice %arg3[%select_n3A, %dma_start3A_33] : memref<1280x128xi32, #tpu.memory_space<hbm>> -> memref<40x128xi32, #tpu.memory_space<hbm>>
      %dma_start3A_35 = arith.constant 0 : i32
      %dma_start3A_36 = tpu.memref_slice %arg3[%select_n3A, %dma_start3A_35] : memref<1280x128xi32, #tpu.memory_space<hbm>> -> memref<40x128xi32, #tpu.memory_space<hbm>>
      tpu.enqueue_dma source(%dma_start3A_36 : memref<40x128xi32, #tpu.memory_space<hbm>>) target(%arg10 : memref<40x128xi32, #tpu.memory_space<vmem>>) target_semaphore(%run_scoped3A : memref<!tpu.dma_semaphore, #tpu.memory_space<semaphore_mem>>)
      %dma_wait3A_37 = arith.constant 0 : i32
      %dma_wait3A_38 = tpu.memref_slice %arg3[%select_n3A, %dma_wait3A_37] : memref<1280x128xi32, #tpu.memory_space<hbm>> -> memref<40x128xi32, #tpu.memory_space<hbm>>
      %dma_wait3A_39 = arith.constant 0 : i32
      %dma_wait3A_40 = tpu.memref_slice %arg3[%select_n3A, %dma_wait3A_39] : memref<1280x128xi32, #tpu.memory_space<hbm>> -> memref<40x128xi32, #tpu.memory_space<hbm>>
      tpu.wait_dma2 semaphore(%run_scoped3A : memref<!tpu.dma_semaphore, #tpu.memory_space<semaphore_mem>>) src(%dma_wait3A_40 : memref<40x128xi32, #tpu.memory_space<hbm>>) dst(%arg10 : memref<40x128xi32, #tpu.memory_space<vmem>>)
      tpu.yield
    }) : () -> ()
    "tpu.region"() ({
      %run_scoped3A = tpu.sem_alloc : memref<!tpu.dma_semaphore, #tpu.memory_space<semaphore_mem>>
      %dma_start3A_33 = arith.constant 0 : i32
      %dma_start3A_34 = tpu.memref_slice %arg4[%select_n3A, %dma_start3A_33] : memref<1280x128xi32, #tpu.memory_space<hbm>> -> memref<40x128xi32, #tpu.memory_space<hbm>>
      %dma_start3A_35 = arith.constant 0 : i32
      %dma_start3A_36 = tpu.memref_slice %arg4[%select_n3A, %dma_start3A_35] : memref<1280x128xi32, #tpu.memory_space<hbm>> -> memref<40x128xi32, #tpu.memory_space<hbm>>
      tpu.enqueue_dma source(%dma_start3A_36 : memref<40x128xi32, #tpu.memory_space<hbm>>) target(%arg11 : memref<40x128xi32, #tpu.memory_space<vmem>>) target_semaphore(%run_scoped3A : memref<!tpu.dma_semaphore, #tpu.memory_space<semaphore_mem>>)
      %dma_wait3A_37 = arith.constant 0 : i32
      %dma_wait3A_38 = tpu.memref_slice %arg4[%select_n3A, %dma_wait3A_37] : memref<1280x128xi32, #tpu.memory_space<hbm>> -> memref<40x128xi32, #tpu.memory_space<hbm>>
      %dma_wait3A_39 = arith.constant 0 : i32
      %dma_wait3A_40 = tpu.memref_slice %arg4[%select_n3A, %dma_wait3A_39] : memref<1280x128xi32, #tpu.memory_space<hbm>> -> memref<40x128xi32, #tpu.memory_space<hbm>>
      tpu.wait_dma2 semaphore(%run_scoped3A : memref<!tpu.dma_semaphore, #tpu.memory_space<semaphore_mem>>) src(%dma_wait3A_40 : memref<40x128xi32, #tpu.memory_space<hbm>>) dst(%arg11 : memref<40x128xi32, #tpu.memory_space<vmem>>)
      tpu.yield
    }) : () -> ()
    %dma_start3A = arith.constant 0 : i32
    %dma_start3A_21 = tpu.memref_slice %arg2[%mul3A_2, %dma_start3A] : memref<163840x16xf32, #tpu.memory_space<hbm>> -> memref<5120x16xf32, #tpu.memory_space<hbm>>
    %dma_start3A_22 = arith.constant 0 : i32
    %dma_start3A_23 = tpu.memref_slice %arg2[%mul3A_2, %dma_start3A_22] : memref<163840x16xf32, #tpu.memory_space<hbm>> -> memref<5120x16xf32, #tpu.memory_space<hbm>>
    tpu.enqueue_dma source(%dma_start3A_23 : memref<5120x16xf32, #tpu.memory_space<hbm>>) target(%arg12 : memref<5120x16xf32, #tpu.memory_space<vmem>>) target_semaphore(%arg13 : memref<!tpu.dma_semaphore, #tpu.memory_space<semaphore_mem>>)
    "tpu.region"() ({
      %run_scoped3A = tpu.sem_alloc : memref<!tpu.dma_semaphore, #tpu.memory_space<semaphore_mem>>
      %dma_start3A_33 = arith.constant 0 : i32
      %dma_start3A_34 = tpu.memref_slice %arg8[%mul3A_20, %dma_start3A_33] : memref<10000x16xf32, #tpu.memory_space<vmem_shared>> -> memref<625x16xf32, #tpu.memory_space<vmem_shared>>
      tpu.enqueue_dma source(%arg5 : memref<625x16xf32, #tpu.memory_space<hbm>>) target(%dma_start3A_34 : memref<625x16xf32, #tpu.memory_space<vmem_shared>>) target_semaphore(%run_scoped3A : memref<!tpu.dma_semaphore, #tpu.memory_space<semaphore_mem>>)
      %dma_wait3A_35 = arith.constant 0 : i32
      %dma_wait3A_36 = tpu.memref_slice %arg8[%mul3A_20, %dma_wait3A_35] : memref<10000x16xf32, #tpu.memory_space<vmem_shared>> -> memref<625x16xf32, #tpu.memory_space<vmem_shared>>
      tpu.wait_dma2 semaphore(%run_scoped3A : memref<!tpu.dma_semaphore, #tpu.memory_space<semaphore_mem>>) src(%arg5 : memref<625x16xf32, #tpu.memory_space<hbm>>) dst(%dma_wait3A_36 : memref<625x16xf32, #tpu.memory_space<vmem_shared>>)
      tpu.yield
    }) : () -> ()
    "tpu.region"() ({
      %run_scoped3A = tpu.sem_alloc : memref<!tpu.dma_semaphore, #tpu.memory_space<semaphore_mem>>
      %dma_start3A_33 = arith.constant 0 : i32
      %dma_start3A_34 = tpu.memref_slice %arg9[%mul3A_20, %dma_start3A_33] : memref<10000x16xf32, #tpu.memory_space<vmem_shared>> -> memref<625x16xf32, #tpu.memory_space<vmem_shared>>
      tpu.enqueue_dma source(%arg5 : memref<625x16xf32, #tpu.memory_space<hbm>>) target(%dma_start3A_34 : memref<625x16xf32, #tpu.memory_space<vmem_shared>>) target_semaphore(%run_scoped3A : memref<!tpu.dma_semaphore, #tpu.memory_space<semaphore_mem>>)
      %dma_wait3A_35 = arith.constant 0 : i32
      %dma_wait3A_36 = tpu.memref_slice %arg9[%mul3A_20, %dma_wait3A_35] : memref<10000x16xf32, #tpu.memory_space<vmem_shared>> -> memref<625x16xf32, #tpu.memory_space<vmem_shared>>
      tpu.wait_dma2 semaphore(%run_scoped3A : memref<!tpu.dma_semaphore, #tpu.memory_space<semaphore_mem>>) src(%arg5 : memref<625x16xf32, #tpu.memory_space<hbm>>) dst(%dma_wait3A_36 : memref<625x16xf32, #tpu.memory_space<vmem_shared>>)
      tpu.yield
    }) : () -> ()
    %dma_wait3A = arith.constant 0 : i32
    %dma_wait3A_24 = tpu.memref_slice %arg2[%mul3A_2, %dma_wait3A] : memref<163840x16xf32, #tpu.memory_space<hbm>> -> memref<5120x16xf32, #tpu.memory_space<hbm>>
    %dma_wait3A_25 = arith.constant 0 : i32
    %dma_wait3A_26 = tpu.memref_slice %arg2[%mul3A_2, %dma_wait3A_25] : memref<163840x16xf32, #tpu.memory_space<hbm>> -> memref<5120x16xf32, #tpu.memory_space<hbm>>
    tpu.wait_dma2 semaphore(%arg13 : memref<!tpu.dma_semaphore, #tpu.memory_space<semaphore_mem>>) src(%dma_wait3A_26 : memref<5120x16xf32, #tpu.memory_space<hbm>>) dst(%arg12 : memref<5120x16xf32, #tpu.memory_space<vmem>>)
    %barrier3A = arith.constant 0 : index
    tpu.barrier barrier_id(%barrier3A)
    %scan3A = arith.constant 0 : i32
    %scan3A_27 = arith.constant 0 : i32
    %scan3A_28 = arith.constant 40 : i32
    %scan3A_29 = arith.addi %scan3A_27, %scan3A_28 : i32
    %scan3A_30 = arith.constant 1 : i32
    scf.for %scan3A_33 = %scan3A_27 to %scan3A_29 step %scan3A_30  : i32 {
      %mul3A_34 = arith.constant 128 : i32
      %mul3A_35 = arith.muli %scan3A_33, %mul3A_34 : i32
      "tpu.region"() ({
        %run_scoped3A = tpu.sem_alloc : memref<!tpu.dma_semaphore, #tpu.memory_space<semaphore_mem>>
        %dma_start3A_38 = arith.constant 0 : i32
        %dma_start3A_39 = tpu.memref_slice %arg12[%mul3A_35, %dma_start3A_38] : memref<5120x16xf32, #tpu.memory_space<vmem>> -> memref<128x16xf32, #tpu.memory_space<vmem>>
        %dma_start3A_40 = arith.constant 0 : i32
        %dma_start3A_41 = tpu.memref_slice %arg10[%scan3A_33, %dma_start3A_40] : memref<40x128xi32, #tpu.memory_space<vmem>> -> memref<1x128xi32, #tpu.memory_space<vmem>>
        %dma_start3A_42 = tpu.memref_squeeze %dma_start3A_41 : memref<1x128xi32, #tpu.memory_space<vmem>> -> memref<128xi32, #tpu.memory_space<vmem>>
        %dma_start3A_43 = arith.constant 0 : i32
        %dma_start3A_44 = arith.constant 0 : i32
        %dma_start3A_45 = tpu.memref_slice %arg8[%dma_start3A_43, %dma_start3A_44] : memref<10000x16xf32, #tpu.memory_space<vmem_shared>> -> memref<10000x16xf32, #tpu.memory_space<vmem_shared>>
        tpu.enqueue_indirect_dma source(%dma_start3A_39 : memref<128x16xf32, #tpu.memory_space<vmem>>) target(%dma_start3A_45 : memref<10000x16xf32, #tpu.memory_space<vmem_shared>>) offsets(%dma_start3A_42 : memref<128xi32, #tpu.memory_space<vmem>>) semaphore(%run_scoped3A : memref<!tpu.dma_semaphore, #tpu.memory_space<semaphore_mem>>) {add = true}
        %dma_wait3A_46 = arith.constant 0 : i32
        %dma_wait3A_47 = tpu.memref_slice %arg12[%mul3A_35, %dma_wait3A_46] : memref<5120x16xf32, #tpu.memory_space<vmem>> -> memref<128x16xf32, #tpu.memory_space<vmem>>
        %dma_wait3A_48 = arith.constant 0 : i32
        %dma_wait3A_49 = tpu.memref_slice %arg10[%scan3A_33, %dma_wait3A_48] : memref<40x128xi32, #tpu.memory_space<vmem>> -> memref<1x128xi32, #tpu.memory_space<vmem>>
        %dma_wait3A_50 = tpu.memref_squeeze %dma_wait3A_49 : memref<1x128xi32, #tpu.memory_space<vmem>> -> memref<128xi32, #tpu.memory_space<vmem>>
        %dma_wait3A_51 = arith.constant 0 : i32
        %dma_wait3A_52 = arith.constant 0 : i32
        %dma_wait3A_53 = tpu.memref_slice %arg8[%dma_wait3A_51, %dma_wait3A_52] : memref<10000x16xf32, #tpu.memory_space<vmem_shared>> -> memref<10000x16xf32, #tpu.memory_space<vmem_shared>>
        tpu.wait_indirect_dma semaphore(%run_scoped3A : memref<!tpu.dma_semaphore, #tpu.memory_space<semaphore_mem>>) src(%dma_wait3A_47 : memref<128x16xf32, #tpu.memory_space<vmem>>) dst(%dma_wait3A_53 : memref<10000x16xf32, #tpu.memory_space<vmem_shared>>)
        tpu.yield
      }) : () -> ()
      %mul3A_36 = arith.constant 128 : i32
      %mul3A_37 = arith.muli %scan3A_33, %mul3A_36 : i32
      "tpu.region"() ({
        %run_scoped3A = tpu.sem_alloc : memref<!tpu.dma_semaphore, #tpu.memory_space<semaphore_mem>>
        %dma_start3A_38 = arith.constant 0 : i32
        %dma_start3A_39 = tpu.memref_slice %arg12[%mul3A_37, %dma_start3A_38] : memref<5120x16xf32, #tpu.memory_space<vmem>> -> memref<128x16xf32, #tpu.memory_space<vmem>>
        %dma_start3A_40 = arith.constant 0 : i32
        %dma_start3A_41 = tpu.memref_slice %arg11[%scan3A_33, %dma_start3A_40] : memref<40x128xi32, #tpu.memory_space<vmem>> -> memref<1x128xi32, #tpu.memory_space<vmem>>
        %dma_start3A_42 = tpu.memref_squeeze %dma_start3A_41 : memref<1x128xi32, #tpu.memory_space<vmem>> -> memref<128xi32, #tpu.memory_space<vmem>>
        %dma_start3A_43 = arith.constant 0 : i32
        %dma_start3A_44 = arith.constant 0 : i32
        %dma_start3A_45 = tpu.memref_slice %arg9[%dma_start3A_43, %dma_start3A_44] : memref<10000x16xf32, #tpu.memory_space<vmem_shared>> -> memref<10000x16xf32, #tpu.memory_space<vmem_shared>>
        tpu.enqueue_indirect_dma source(%dma_start3A_39 : memref<128x16xf32, #tpu.memory_space<vmem>>) target(%dma_start3A_45 : memref<10000x16xf32, #tpu.memory_space<vmem_shared>>) offsets(%dma_start3A_42 : memref<128xi32, #tpu.memory_space<vmem>>) semaphore(%run_scoped3A : memref<!tpu.dma_semaphore, #tpu.memory_space<semaphore_mem>>) {add = true}
        %dma_wait3A_46 = arith.constant 0 : i32
        %dma_wait3A_47 = tpu.memref_slice %arg12[%mul3A_37, %dma_wait3A_46] : memref<5120x16xf32, #tpu.memory_space<vmem>> -> memref<128x16xf32, #tpu.memory_space<vmem>>
        %dma_wait3A_48 = arith.constant 0 : i32
        %dma_wait3A_49 = tpu.memref_slice %arg11[%scan3A_33, %dma_wait3A_48] : memref<40x128xi32, #tpu.memory_space<vmem>> -> memref<1x128xi32, #tpu.memory_space<vmem>>
        %dma_wait3A_50 = tpu.memref_squeeze %dma_wait3A_49 : memref<1x128xi32, #tpu.memory_space<vmem>> -> memref<128xi32, #tpu.memory_space<vmem>>
        %dma_wait3A_51 = arith.constant 0 : i32
        %dma_wait3A_52 = arith.constant 0 : i32
        %dma_wait3A_53 = tpu.memref_slice %arg9[%dma_wait3A_51, %dma_wait3A_52] : memref<10000x16xf32, #tpu.memory_space<vmem_shared>> -> memref<10000x16xf32, #tpu.memory_space<vmem_shared>>
        tpu.wait_indirect_dma semaphore(%run_scoped3A : memref<!tpu.dma_semaphore, #tpu.memory_space<semaphore_mem>>) src(%dma_wait3A_47 : memref<128x16xf32, #tpu.memory_space<vmem>>) dst(%dma_wait3A_53 : memref<10000x16xf32, #tpu.memory_space<vmem_shared>>)
        tpu.yield
      }) : () -> ()
    }
    %scan3A_31 = arith.constant 40 : i32
    %barrier3A_32 = arith.constant 0 : index
    tpu.barrier barrier_id(%barrier3A_32)
    "tpu.region"() ({
      %run_scoped3A = tpu.sem_alloc : memref<!tpu.dma_semaphore, #tpu.memory_space<semaphore_mem>>
      %dma_start3A_33 = arith.constant 0 : i32
      %dma_start3A_34 = tpu.memref_slice %arg6[%arg0, %mul3A_20, %dma_start3A_33] : memref<2x10000x16xf32, #tpu.memory_space<hbm>> -> memref<1x625x16xf32, #tpu.memory_space<hbm>>
      %dma_start3A_35 = tpu.memref_squeeze %dma_start3A_34 : memref<1x625x16xf32, #tpu.memory_space<hbm>> -> memref<625x16xf32, #tpu.memory_space<hbm>>
      %dma_start3A_36 = arith.constant 0 : i32
      %dma_start3A_37 = tpu.memref_slice %arg8[%mul3A_20, %dma_start3A_36] : memref<10000x16xf32, #tpu.memory_space<vmem_shared>> -> memref<625x16xf32, #tpu.memory_space<vmem_shared>>
      tpu.enqueue_dma source(%dma_start3A_37 : memref<625x16xf32, #tpu.memory_space<vmem_shared>>) target(%dma_start3A_35 : memref<625x16xf32, #tpu.memory_space<hbm>>) target_semaphore(%run_scoped3A : memref<!tpu.dma_semaphore, #tpu.memory_space<semaphore_mem>>)
      %dma_wait3A_38 = arith.constant 0 : i32
      %dma_wait3A_39 = tpu.memref_slice %arg6[%arg0, %mul3A_20, %dma_wait3A_38] : memref<2x10000x16xf32, #tpu.memory_space<hbm>> -> memref<1x625x16xf32, #tpu.memory_space<hbm>>
      %dma_wait3A_40 = tpu.memref_squeeze %dma_wait3A_39 : memref<1x625x16xf32, #tpu.memory_space<hbm>> -> memref<625x16xf32, #tpu.memory_space<hbm>>
      %dma_wait3A_41 = arith.constant 0 : i32
      %dma_wait3A_42 = tpu.memref_slice %arg8[%mul3A_20, %dma_wait3A_41] : memref<10000x16xf32, #tpu.memory_space<vmem_shared>> -> memref<625x16xf32, #tpu.memory_space<vmem_shared>>
      tpu.wait_dma2 semaphore(%run_scoped3A : memref<!tpu.dma_semaphore, #tpu.memory_space<semaphore_mem>>) src(%dma_wait3A_42 : memref<625x16xf32, #tpu.memory_space<vmem_shared>>) dst(%dma_wait3A_40 : memref<625x16xf32, #tpu.memory_space<hbm>>)
      tpu.yield
    }) : () -> ()
    "tpu.region"() ({
      %run_scoped3A = tpu.sem_alloc : memref<!tpu.dma_semaphore, #tpu.memory_space<semaphore_mem>>
      %dma_start3A_33 = arith.constant 0 : i32
      %dma_start3A_34 = tpu.memref_slice %arg7[%arg0, %mul3A_20, %dma_start3A_33] : memref<2x10000x16xf32, #tpu.memory_space<hbm>> -> memref<1x625x16xf32, #tpu.memory_space<hbm>>
      %dma_start3A_35 = tpu.memref_squeeze %dma_start3A_34 : memref<1x625x16xf32, #tpu.memory_space<hbm>> -> memref<625x16xf32, #tpu.memory_space<hbm>>
      %dma_start3A_36 = arith.constant 0 : i32
      %dma_start3A_37 = tpu.memref_slice %arg9[%mul3A_20, %dma_start3A_36] : memref<10000x16xf32, #tpu.memory_space<vmem_shared>> -> memref<625x16xf32, #tpu.memory_space<vmem_shared>>
      tpu.enqueue_dma source(%dma_start3A_37 : memref<625x16xf32, #tpu.memory_space<vmem_shared>>) target(%dma_start3A_35 : memref<625x16xf32, #tpu.memory_space<hbm>>) target_semaphore(%run_scoped3A : memref<!tpu.dma_semaphore, #tpu.memory_space<semaphore_mem>>)
      %dma_wait3A_38 = arith.constant 0 : i32
      %dma_wait3A_39 = tpu.memref_slice %arg7[%arg0, %mul3A_20, %dma_wait3A_38] : memref<2x10000x16xf32, #tpu.memory_space<hbm>> -> memref<1x625x16xf32, #tpu.memory_space<hbm>>
      %dma_wait3A_40 = tpu.memref_squeeze %dma_wait3A_39 : memref<1x625x16xf32, #tpu.memory_space<hbm>> -> memref<625x16xf32, #tpu.memory_space<hbm>>
      %dma_wait3A_41 = arith.constant 0 : i32
      %dma_wait3A_42 = tpu.memref_slice %arg9[%mul3A_20, %dma_wait3A_41] : memref<10000x16xf32, #tpu.memory_space<vmem_shared>> -> memref<625x16xf32, #tpu.memory_space<vmem_shared>>
      tpu.wait_dma2 semaphore(%run_scoped3A : memref<!tpu.dma_semaphore, #tpu.memory_space<semaphore_mem>>) src(%dma_wait3A_42 : memref<625x16xf32, #tpu.memory_space<vmem_shared>>) dst(%dma_wait3A_40 : memref<625x16xf32, #tpu.memory_space<hbm>>)
      tpu.yield
    }) : () -> ()
    return
  }
}

#map = affine_map<(d0, d1) -> (0, 0)>
module attributes {stable_mosaic.version = 14 : i64} {
  func.func @run(%arg0: i32, %arg1: i32, %arg2: memref<10000x128xf32, #tpu.memory_space<hbm>>, %arg3: memref<1280x128xi32, #tpu.memory_space<hbm>>, %arg4: memref<163840x128xf32, #tpu.memory_space<hbm>>, %arg5: memref<40x128xi32, #tpu.memory_space<vmem>>, %arg6: memref<640x128xf32, #tpu.memory_space<vmem>>, %arg7: memref<!tpu.dma_semaphore, #tpu.memory_space<semaphore_mem>>, %arg8: memref<!tpu.dma_semaphore, #tpu.memory_space<semaphore_mem>>) attributes {dimension_semantics = [#tpu.dimension_semantics<core_parallel>, #tpu.dimension_semantics<subcore_parallel>], iteration_bounds = array<i64: 2, 16>, scalar_prefetch = 0 : i64, scratch_operands = 4 : i64, tpu.core_type = #tpu.core_type<sc_vector_subcore>, window_params = [{transform_indices = #map}, {transform_indices = #map}, {transform_indices = #map}]} {
    %mul3A = arith.constant 2 : i32
    %mul3A_0 = arith.muli %arg1, %mul3A : i32
    %add3A = arith.addi %mul3A_0, %arg0 : i32
    %mul3A_1 = arith.constant 5120 : i32
    %mul3A_2 = arith.muli %add3A, %mul3A_1 : i32
    %jit3A = arith.constant 128 : i32
    %div3A = arith.divsi %mul3A_2, %jit3A : i32
    %sign3A = arith.constant 0 : i32
    %sign3A_3 = arith.cmpi sgt, %mul3A_2, %sign3A : i32
    %sign3A_4 = arith.extui %sign3A_3 : i1 to i32
    %sign3A_5 = arith.constant 0 : i32
    %sign3A_6 = arith.cmpi slt, %mul3A_2, %sign3A_5 : i32
    %sign3A_7 = arith.extui %sign3A_6 : i1 to i32
    %sign3A_8 = arith.subi %sign3A_4, %sign3A_7 : i32
    %sign3A_9 = arith.constant 0 : i32
    %sign3A_10 = arith.cmpi sgt, %jit3A, %sign3A_9 : i32
    %sign3A_11 = arith.extui %sign3A_10 : i1 to i32
    %sign3A_12 = arith.constant 0 : i32
    %sign3A_13 = arith.cmpi slt, %jit3A, %sign3A_12 : i32
    %sign3A_14 = arith.extui %sign3A_13 : i1 to i32
    %sign3A_15 = arith.subi %sign3A_11, %sign3A_14 : i32
    %ne3A = arith.cmpi ne, %sign3A_8, %sign3A_15 : i32
    %rem3A = arith.remsi %mul3A_2, %jit3A : i32
    %ne3A_16 = arith.constant 0 : i32
    %ne3A_17 = arith.cmpi ne, %rem3A, %ne3A_16 : i32
    %and3A = arith.andi %ne3A, %ne3A_17 : i1
    %sub3A = arith.constant 1 : i32
    %sub3A_18 = arith.subi %div3A, %sub3A : i32
    %select_n3A = arith.select %and3A, %sub3A_18, %div3A : i32
    "tpu.region"() ({
      %run_scoped3A = tpu.sem_alloc : memref<!tpu.dma_semaphore, #tpu.memory_space<semaphore_mem>>
      %dma_start3A = arith.constant 0 : i32
      %dma_start3A_27 = tpu.memref_slice %arg3[%select_n3A, %dma_start3A] : memref<1280x128xi32, #tpu.memory_space<hbm>> -> memref<40x128xi32, #tpu.memory_space<hbm>>
      %dma_start3A_28 = arith.constant 0 : i32
      %dma_start3A_29 = tpu.memref_slice %arg3[%select_n3A, %dma_start3A_28] : memref<1280x128xi32, #tpu.memory_space<hbm>> -> memref<40x128xi32, #tpu.memory_space<hbm>>
      tpu.enqueue_dma source(%dma_start3A_29 : memref<40x128xi32, #tpu.memory_space<hbm>>) target(%arg5 : memref<40x128xi32, #tpu.memory_space<vmem>>) target_semaphore(%run_scoped3A : memref<!tpu.dma_semaphore, #tpu.memory_space<semaphore_mem>>)
      %dma_wait3A_30 = arith.constant 0 : i32
      %dma_wait3A_31 = tpu.memref_slice %arg3[%select_n3A, %dma_wait3A_30] : memref<1280x128xi32, #tpu.memory_space<hbm>> -> memref<40x128xi32, #tpu.memory_space<hbm>>
      %dma_wait3A_32 = arith.constant 0 : i32
      %dma_wait3A_33 = tpu.memref_slice %arg3[%select_n3A, %dma_wait3A_32] : memref<1280x128xi32, #tpu.memory_space<hbm>> -> memref<40x128xi32, #tpu.memory_space<hbm>>
      tpu.wait_dma2 semaphore(%run_scoped3A : memref<!tpu.dma_semaphore, #tpu.memory_space<semaphore_mem>>) src(%dma_wait3A_33 : memref<40x128xi32, #tpu.memory_space<hbm>>) dst(%arg5 : memref<40x128xi32, #tpu.memory_space<vmem>>)
      tpu.yield
    }) : () -> ()
    %scan3A = arith.constant 0 : i32
    %scan3A_19 = arith.constant 0 : i32
    %scan3A_20 = arith.constant 8 : i32
    %scan3A_21 = arith.addi %scan3A_19, %scan3A_20 : i32
    %scan3A_22 = arith.constant 1 : i32
    scf.for %scan3A_27 = %scan3A_19 to %scan3A_21 step %scan3A_22  : i32 {
      %gt3A = arith.constant 0 : i32
      %gt3A_28 = arith.cmpi sgt, %scan3A_27, %gt3A : i32
      %convert_element_type3A = arith.extui %gt3A_28 : i1 to i32
      %cond3A = arith.constant 0 : i32
      %cond3A_29 = arith.cmpi ne, %convert_element_type3A, %cond3A : i32
      scf.if %cond3A_29 {
        %dma_wait3A_183 = arith.constant 0 : i32
        %dma_wait3A_184 = tpu.memref_slice %arg4[%mul3A_2, %dma_wait3A_183] : memref<163840x128xf32, #tpu.memory_space<hbm>> -> memref<640x128xf32, #tpu.memory_space<hbm>>
        %dma_wait3A_185 = arith.constant 0 : i32
        %dma_wait3A_186 = tpu.memref_slice %arg4[%mul3A_2, %dma_wait3A_185] : memref<163840x128xf32, #tpu.memory_space<hbm>> -> memref<640x128xf32, #tpu.memory_space<hbm>>
        tpu.wait_dma2 semaphore(%arg8 : memref<!tpu.dma_semaphore, #tpu.memory_space<semaphore_mem>>) src(%dma_wait3A_186 : memref<640x128xf32, #tpu.memory_space<hbm>>) dst(%arg6 : memref<640x128xf32, #tpu.memory_space<vmem>>)
      } else {
      }
      %mul3A_30 = arith.constant 5 : i32
      %mul3A_31 = arith.muli %scan3A_27, %mul3A_30 : i32
      %add3A_32 = arith.constant 0 : i32
      %add3A_33 = arith.addi %mul3A_31, %add3A_32 : i32
      %dma_start3A = arith.constant 0 : i32
      %dma_start3A_34 = arith.constant 0 : i32
      %dma_start3A_35 = tpu.memref_slice %arg6[%dma_start3A, %dma_start3A_34] : memref<640x128xf32, #tpu.memory_space<vmem>> -> memref<128x128xf32, #tpu.memory_space<vmem>>
      %dma_start3A_36 = arith.constant 0 : i32
      %dma_start3A_37 = tpu.memref_slice %arg5[%add3A_33, %dma_start3A_36] : memref<40x128xi32, #tpu.memory_space<vmem>> -> memref<1x128xi32, #tpu.memory_space<vmem>>
      %dma_start3A_38 = tpu.memref_squeeze %dma_start3A_37 : memref<1x128xi32, #tpu.memory_space<vmem>> -> memref<128xi32, #tpu.memory_space<vmem>>
      %dma_start3A_39 = arith.constant 0 : i32
      %dma_start3A_40 = arith.constant 0 : i32
      %dma_start3A_41 = tpu.memref_slice %arg2[%dma_start3A_39, %dma_start3A_40] : memref<10000x128xf32, #tpu.memory_space<hbm>> -> memref<10000x128xf32, #tpu.memory_space<hbm>>
      tpu.enqueue_indirect_dma source(%dma_start3A_41 : memref<10000x128xf32, #tpu.memory_space<hbm>>) target(%dma_start3A_35 : memref<128x128xf32, #tpu.memory_space<vmem>>) offsets(%dma_start3A_38 : memref<128xi32, #tpu.memory_space<vmem>>) semaphore(%arg7 : memref<!tpu.dma_semaphore, #tpu.memory_space<semaphore_mem>>)
      %mul3A_42 = arith.constant 5 : i32
      %mul3A_43 = arith.muli %scan3A_27, %mul3A_42 : i32
      %add3A_44 = arith.constant 1 : i32
      %add3A_45 = arith.addi %mul3A_43, %add3A_44 : i32
      %dma_start3A_46 = arith.constant 128 : i32
      %dma_start3A_47 = arith.constant 0 : i32
      %dma_start3A_48 = tpu.memref_slice %arg6[%dma_start3A_46, %dma_start3A_47] : memref<640x128xf32, #tpu.memory_space<vmem>> -> memref<128x128xf32, #tpu.memory_space<vmem>>
      %dma_start3A_49 = arith.constant 0 : i32
      %dma_start3A_50 = tpu.memref_slice %arg5[%add3A_45, %dma_start3A_49] : memref<40x128xi32, #tpu.memory_space<vmem>> -> memref<1x128xi32, #tpu.memory_space<vmem>>
      %dma_start3A_51 = tpu.memref_squeeze %dma_start3A_50 : memref<1x128xi32, #tpu.memory_space<vmem>> -> memref<128xi32, #tpu.memory_space<vmem>>
      %dma_start3A_52 = arith.constant 0 : i32
      %dma_start3A_53 = arith.constant 0 : i32
      %dma_start3A_54 = tpu.memref_slice %arg2[%dma_start3A_52, %dma_start3A_53] : memref<10000x128xf32, #tpu.memory_space<hbm>> -> memref<10000x128xf32, #tpu.memory_space<hbm>>
      tpu.enqueue_indirect_dma source(%dma_start3A_54 : memref<10000x128xf32, #tpu.memory_space<hbm>>) target(%dma_start3A_48 : memref<128x128xf32, #tpu.memory_space<vmem>>) offsets(%dma_start3A_51 : memref<128xi32, #tpu.memory_space<vmem>>) semaphore(%arg7 : memref<!tpu.dma_semaphore, #tpu.memory_space<semaphore_mem>>)
      %mul3A_55 = arith.constant 5 : i32
      %mul3A_56 = arith.muli %scan3A_27, %mul3A_55 : i32
      %add3A_57 = arith.constant 2 : i32
      %add3A_58 = arith.addi %mul3A_56, %add3A_57 : i32
      %dma_start3A_59 = arith.constant 256 : i32
      %dma_start3A_60 = arith.constant 0 : i32
      %dma_start3A_61 = tpu.memref_slice %arg6[%dma_start3A_59, %dma_start3A_60] : memref<640x128xf32, #tpu.memory_space<vmem>> -> memref<128x128xf32, #tpu.memory_space<vmem>>
      %dma_start3A_62 = arith.constant 0 : i32
      %dma_start3A_63 = tpu.memref_slice %arg5[%add3A_58, %dma_start3A_62] : memref<40x128xi32, #tpu.memory_space<vmem>> -> memref<1x128xi32, #tpu.memory_space<vmem>>
      %dma_start3A_64 = tpu.memref_squeeze %dma_start3A_63 : memref<1x128xi32, #tpu.memory_space<vmem>> -> memref<128xi32, #tpu.memory_space<vmem>>
      %dma_start3A_65 = arith.constant 0 : i32
      %dma_start3A_66 = arith.constant 0 : i32
      %dma_start3A_67 = tpu.memref_slice %arg2[%dma_start3A_65, %dma_start3A_66] : memref<10000x128xf32, #tpu.memory_space<hbm>> -> memref<10000x128xf32, #tpu.memory_space<hbm>>
      tpu.enqueue_indirect_dma source(%dma_start3A_67 : memref<10000x128xf32, #tpu.memory_space<hbm>>) target(%dma_start3A_61 : memref<128x128xf32, #tpu.memory_space<vmem>>) offsets(%dma_start3A_64 : memref<128xi32, #tpu.memory_space<vmem>>) semaphore(%arg7 : memref<!tpu.dma_semaphore, #tpu.memory_space<semaphore_mem>>)
      %mul3A_68 = arith.constant 5 : i32
      %mul3A_69 = arith.muli %scan3A_27, %mul3A_68 : i32
      %add3A_70 = arith.constant 3 : i32
      %add3A_71 = arith.addi %mul3A_69, %add3A_70 : i32
      %dma_start3A_72 = arith.constant 384 : i32
      %dma_start3A_73 = arith.constant 0 : i32
      %dma_start3A_74 = tpu.memref_slice %arg6[%dma_start3A_72, %dma_start3A_73] : memref<640x128xf32, #tpu.memory_space<vmem>> -> memref<128x128xf32, #tpu.memory_space<vmem>>
      %dma_start3A_75 = arith.constant 0 : i32
      %dma_start3A_76 = tpu.memref_slice %arg5[%add3A_71, %dma_start3A_75] : memref<40x128xi32, #tpu.memory_space<vmem>> -> memref<1x128xi32, #tpu.memory_space<vmem>>
      %dma_start3A_77 = tpu.memref_squeeze %dma_start3A_76 : memref<1x128xi32, #tpu.memory_space<vmem>> -> memref<128xi32, #tpu.memory_space<vmem>>
      %dma_start3A_78 = arith.constant 0 : i32
      %dma_start3A_79 = arith.constant 0 : i32
      %dma_start3A_80 = tpu.memref_slice %arg2[%dma_start3A_78, %dma_start3A_79] : memref<10000x128xf32, #tpu.memory_space<hbm>> -> memref<10000x128xf32, #tpu.memory_space<hbm>>
      tpu.enqueue_indirect_dma source(%dma_start3A_80 : memref<10000x128xf32, #tpu.memory_space<hbm>>) target(%dma_start3A_74 : memref<128x128xf32, #tpu.memory_space<vmem>>) offsets(%dma_start3A_77 : memref<128xi32, #tpu.memory_space<vmem>>) semaphore(%arg7 : memref<!tpu.dma_semaphore, #tpu.memory_space<semaphore_mem>>)
      %mul3A_81 = arith.constant 5 : i32
      %mul3A_82 = arith.muli %scan3A_27, %mul3A_81 : i32
      %add3A_83 = arith.constant 4 : i32
      %add3A_84 = arith.addi %mul3A_82, %add3A_83 : i32
      %dma_start3A_85 = arith.constant 512 : i32
      %dma_start3A_86 = arith.constant 0 : i32
      %dma_start3A_87 = tpu.memref_slice %arg6[%dma_start3A_85, %dma_start3A_86] : memref<640x128xf32, #tpu.memory_space<vmem>> -> memref<128x128xf32, #tpu.memory_space<vmem>>
      %dma_start3A_88 = arith.constant 0 : i32
      %dma_start3A_89 = tpu.memref_slice %arg5[%add3A_84, %dma_start3A_88] : memref<40x128xi32, #tpu.memory_space<vmem>> -> memref<1x128xi32, #tpu.memory_space<vmem>>
      %dma_start3A_90 = tpu.memref_squeeze %dma_start3A_89 : memref<1x128xi32, #tpu.memory_space<vmem>> -> memref<128xi32, #tpu.memory_space<vmem>>
      %dma_start3A_91 = arith.constant 0 : i32
      %dma_start3A_92 = arith.constant 0 : i32
      %dma_start3A_93 = tpu.memref_slice %arg2[%dma_start3A_91, %dma_start3A_92] : memref<10000x128xf32, #tpu.memory_space<hbm>> -> memref<10000x128xf32, #tpu.memory_space<hbm>>
      tpu.enqueue_indirect_dma source(%dma_start3A_93 : memref<10000x128xf32, #tpu.memory_space<hbm>>) target(%dma_start3A_87 : memref<128x128xf32, #tpu.memory_space<vmem>>) offsets(%dma_start3A_90 : memref<128xi32, #tpu.memory_space<vmem>>) semaphore(%arg7 : memref<!tpu.dma_semaphore, #tpu.memory_space<semaphore_mem>>)
      %dma_wait3A_94 = arith.constant 0 : i32
      %dma_wait3A_95 = tpu.memref_slice %arg4[%mul3A_2, %dma_wait3A_94] : memref<163840x128xf32, #tpu.memory_space<hbm>> -> memref<640x128xf32, #tpu.memory_space<hbm>>
      %dma_wait3A_96 = arith.constant 0 : i32
      %dma_wait3A_97 = tpu.memref_slice %arg4[%mul3A_2, %dma_wait3A_96] : memref<163840x128xf32, #tpu.memory_space<hbm>> -> memref<640x128xf32, #tpu.memory_space<hbm>>
      tpu.wait_dma2 semaphore(%arg7 : memref<!tpu.dma_semaphore, #tpu.memory_space<semaphore_mem>>) src(%dma_wait3A_97 : memref<640x128xf32, #tpu.memory_space<hbm>>) dst(%arg6 : memref<640x128xf32, #tpu.memory_space<vmem>>)
      %mul3A_98 = arith.constant 5 : i32
      %mul3A_99 = arith.muli %scan3A_27, %mul3A_98 : i32
      %add3A_100 = arith.constant 0 : i32
      %add3A_101 = arith.addi %mul3A_99, %add3A_100 : i32
      %mul3A_102 = arith.constant 128 : i32
      %mul3A_103 = arith.muli %add3A_101, %mul3A_102 : i32
      %add3A_104 = arith.addi %mul3A_2, %mul3A_103 : i32
      %dma_start3A_105 = arith.constant 0 : i32
      %dma_start3A_106 = arith.constant 0 : i32
      %dma_start3A_107 = tpu.memref_slice %arg6[%dma_start3A_105, %dma_start3A_106] : memref<640x128xf32, #tpu.memory_space<vmem>> -> memref<128x128xf32, #tpu.memory_space<vmem>>
      %dma_start3A_108 = arith.constant 0 : i32
      %dma_start3A_109 = tpu.memref_slice %arg4[%add3A_104, %dma_start3A_108] : memref<163840x128xf32, #tpu.memory_space<hbm>> -> memref<128x128xf32, #tpu.memory_space<hbm>>
      %dma_start3A_110 = arith.constant 0 : i32
      %dma_start3A_111 = tpu.memref_slice %arg4[%add3A_104, %dma_start3A_110] : memref<163840x128xf32, #tpu.memory_space<hbm>> -> memref<128x128xf32, #tpu.memory_space<hbm>>
      %dma_start3A_112 = arith.constant 0 : i32
      %dma_start3A_113 = arith.constant 0 : i32
      %dma_start3A_114 = tpu.memref_slice %arg6[%dma_start3A_112, %dma_start3A_113] : memref<640x128xf32, #tpu.memory_space<vmem>> -> memref<128x128xf32, #tpu.memory_space<vmem>>
      tpu.enqueue_dma source(%dma_start3A_114 : memref<128x128xf32, #tpu.memory_space<vmem>>) target(%dma_start3A_111 : memref<128x128xf32, #tpu.memory_space<hbm>>) target_semaphore(%arg8 : memref<!tpu.dma_semaphore, #tpu.memory_space<semaphore_mem>>)
      %mul3A_115 = arith.constant 5 : i32
      %mul3A_116 = arith.muli %scan3A_27, %mul3A_115 : i32
      %add3A_117 = arith.constant 1 : i32
      %add3A_118 = arith.addi %mul3A_116, %add3A_117 : i32
      %mul3A_119 = arith.constant 128 : i32
      %mul3A_120 = arith.muli %add3A_118, %mul3A_119 : i32
      %add3A_121 = arith.addi %mul3A_2, %mul3A_120 : i32
      %dma_start3A_122 = arith.constant 128 : i32
      %dma_start3A_123 = arith.constant 0 : i32
      %dma_start3A_124 = tpu.memref_slice %arg6[%dma_start3A_122, %dma_start3A_123] : memref<640x128xf32, #tpu.memory_space<vmem>> -> memref<128x128xf32, #tpu.memory_space<vmem>>
      %dma_start3A_125 = arith.constant 0 : i32
      %dma_start3A_126 = tpu.memref_slice %arg4[%add3A_121, %dma_start3A_125] : memref<163840x128xf32, #tpu.memory_space<hbm>> -> memref<128x128xf32, #tpu.memory_space<hbm>>
      %dma_start3A_127 = arith.constant 0 : i32
      %dma_start3A_128 = tpu.memref_slice %arg4[%add3A_121, %dma_start3A_127] : memref<163840x128xf32, #tpu.memory_space<hbm>> -> memref<128x128xf32, #tpu.memory_space<hbm>>
      %dma_start3A_129 = arith.constant 128 : i32
      %dma_start3A_130 = arith.constant 0 : i32
      %dma_start3A_131 = tpu.memref_slice %arg6[%dma_start3A_129, %dma_start3A_130] : memref<640x128xf32, #tpu.memory_space<vmem>> -> memref<128x128xf32, #tpu.memory_space<vmem>>
      tpu.enqueue_dma source(%dma_start3A_131 : memref<128x128xf32, #tpu.memory_space<vmem>>) target(%dma_start3A_128 : memref<128x128xf32, #tpu.memory_space<hbm>>) target_semaphore(%arg8 : memref<!tpu.dma_semaphore, #tpu.memory_space<semaphore_mem>>)
      %mul3A_132 = arith.constant 5 : i32
      %mul3A_133 = arith.muli %scan3A_27, %mul3A_132 : i32
      %add3A_134 = arith.constant 2 : i32
      %add3A_135 = arith.addi %mul3A_133, %add3A_134 : i32
      %mul3A_136 = arith.constant 128 : i32
      %mul3A_137 = arith.muli %add3A_135, %mul3A_136 : i32
      %add3A_138 = arith.addi %mul3A_2, %mul3A_137 : i32
      %dma_start3A_139 = arith.constant 256 : i32
      %dma_start3A_140 = arith.constant 0 : i32
      %dma_start3A_141 = tpu.memref_slice %arg6[%dma_start3A_139, %dma_start3A_140] : memref<640x128xf32, #tpu.memory_space<vmem>> -> memref<128x128xf32, #tpu.memory_space<vmem>>
      %dma_start3A_142 = arith.constant 0 : i32
      %dma_start3A_143 = tpu.memref_slice %arg4[%add3A_138, %dma_start3A_142] : memref<163840x128xf32, #tpu.memory_space<hbm>> -> memref<128x128xf32, #tpu.memory_space<hbm>>
      %dma_start3A_144 = arith.constant 0 : i32
      %dma_start3A_145 = tpu.memref_slice %arg4[%add3A_138, %dma_start3A_144] : memref<163840x128xf32, #tpu.memory_space<hbm>> -> memref<128x128xf32, #tpu.memory_space<hbm>>
      %dma_start3A_146 = arith.constant 256 : i32
      %dma_start3A_147 = arith.constant 0 : i32
      %dma_start3A_148 = tpu.memref_slice %arg6[%dma_start3A_146, %dma_start3A_147] : memref<640x128xf32, #tpu.memory_space<vmem>> -> memref<128x128xf32, #tpu.memory_space<vmem>>
      tpu.enqueue_dma source(%dma_start3A_148 : memref<128x128xf32, #tpu.memory_space<vmem>>) target(%dma_start3A_145 : memref<128x128xf32, #tpu.memory_space<hbm>>) target_semaphore(%arg8 : memref<!tpu.dma_semaphore, #tpu.memory_space<semaphore_mem>>)
      %mul3A_149 = arith.constant 5 : i32
      %mul3A_150 = arith.muli %scan3A_27, %mul3A_149 : i32
      %add3A_151 = arith.constant 3 : i32
      %add3A_152 = arith.addi %mul3A_150, %add3A_151 : i32
      %mul3A_153 = arith.constant 128 : i32
      %mul3A_154 = arith.muli %add3A_152, %mul3A_153 : i32
      %add3A_155 = arith.addi %mul3A_2, %mul3A_154 : i32
      %dma_start3A_156 = arith.constant 384 : i32
      %dma_start3A_157 = arith.constant 0 : i32
      %dma_start3A_158 = tpu.memref_slice %arg6[%dma_start3A_156, %dma_start3A_157] : memref<640x128xf32, #tpu.memory_space<vmem>> -> memref<128x128xf32, #tpu.memory_space<vmem>>
      %dma_start3A_159 = arith.constant 0 : i32
      %dma_start3A_160 = tpu.memref_slice %arg4[%add3A_155, %dma_start3A_159] : memref<163840x128xf32, #tpu.memory_space<hbm>> -> memref<128x128xf32, #tpu.memory_space<hbm>>
      %dma_start3A_161 = arith.constant 0 : i32
      %dma_start3A_162 = tpu.memref_slice %arg4[%add3A_155, %dma_start3A_161] : memref<163840x128xf32, #tpu.memory_space<hbm>> -> memref<128x128xf32, #tpu.memory_space<hbm>>
      %dma_start3A_163 = arith.constant 384 : i32
      %dma_start3A_164 = arith.constant 0 : i32
      %dma_start3A_165 = tpu.memref_slice %arg6[%dma_start3A_163, %dma_start3A_164] : memref<640x128xf32, #tpu.memory_space<vmem>> -> memref<128x128xf32, #tpu.memory_space<vmem>>
      tpu.enqueue_dma source(%dma_start3A_165 : memref<128x128xf32, #tpu.memory_space<vmem>>) target(%dma_start3A_162 : memref<128x128xf32, #tpu.memory_space<hbm>>) target_semaphore(%arg8 : memref<!tpu.dma_semaphore, #tpu.memory_space<semaphore_mem>>)
      %mul3A_166 = arith.constant 5 : i32
      %mul3A_167 = arith.muli %scan3A_27, %mul3A_166 : i32
      %add3A_168 = arith.constant 4 : i32
      %add3A_169 = arith.addi %mul3A_167, %add3A_168 : i32
      %mul3A_170 = arith.constant 128 : i32
      %mul3A_171 = arith.muli %add3A_169, %mul3A_170 : i32
      %add3A_172 = arith.addi %mul3A_2, %mul3A_171 : i32
      %dma_start3A_173 = arith.constant 512 : i32
      %dma_start3A_174 = arith.constant 0 : i32
      %dma_start3A_175 = tpu.memref_slice %arg6[%dma_start3A_173, %dma_start3A_174] : memref<640x128xf32, #tpu.memory_space<vmem>> -> memref<128x128xf32, #tpu.memory_space<vmem>>
      %dma_start3A_176 = arith.constant 0 : i32
      %dma_start3A_177 = tpu.memref_slice %arg4[%add3A_172, %dma_start3A_176] : memref<163840x128xf32, #tpu.memory_space<hbm>> -> memref<128x128xf32, #tpu.memory_space<hbm>>
      %dma_start3A_178 = arith.constant 0 : i32
      %dma_start3A_179 = tpu.memref_slice %arg4[%add3A_172, %dma_start3A_178] : memref<163840x128xf32, #tpu.memory_space<hbm>> -> memref<128x128xf32, #tpu.memory_space<hbm>>
      %dma_start3A_180 = arith.constant 512 : i32
      %dma_start3A_181 = arith.constant 0 : i32
      %dma_start3A_182 = tpu.memref_slice %arg6[%dma_start3A_180, %dma_start3A_181] : memref<640x128xf32, #tpu.memory_space<vmem>> -> memref<128x128xf32, #tpu.memory_space<vmem>>
      tpu.enqueue_dma source(%dma_start3A_182 : memref<128x128xf32, #tpu.memory_space<vmem>>) target(%dma_start3A_179 : memref<128x128xf32, #tpu.memory_space<hbm>>) target_semaphore(%arg8 : memref<!tpu.dma_semaphore, #tpu.memory_space<semaphore_mem>>)
    }
    %scan3A_23 = arith.constant 8 : i32
    %dma_wait3A = arith.constant 0 : i32
    %dma_wait3A_24 = tpu.memref_slice %arg4[%mul3A_2, %dma_wait3A] : memref<163840x128xf32, #tpu.memory_space<hbm>> -> memref<640x128xf32, #tpu.memory_space<hbm>>
    %dma_wait3A_25 = arith.constant 0 : i32
    %dma_wait3A_26 = tpu.memref_slice %arg4[%mul3A_2, %dma_wait3A_25] : memref<163840x128xf32, #tpu.memory_space<hbm>> -> memref<640x128xf32, #tpu.memory_space<hbm>>
    tpu.wait_dma2 semaphore(%arg8 : memref<!tpu.dma_semaphore, #tpu.memory_space<semaphore_mem>>) src(%dma_wait3A_26 : memref<640x128xf32, #tpu.memory_space<hbm>>) dst(%arg6 : memref<640x128xf32, #tpu.memory_space<vmem>>)
    return
  }
}

module attributes {stable_mosaic.version = 14 : i64} {
  func.func @_edge_fwd_body(%arg0: i32, %arg1: memref<2048x16xf32, #tpu.memory_space<vmem>>, %arg2: memref<2048x16xf32, #tpu.memory_space<vmem>>, %arg3: memref<2048x16xf32, #tpu.memory_space<vmem>>, %arg4: memref<2048x16xf32, #tpu.memory_space<vmem>>, %arg5: memref<16x128xf32, #tpu.memory_space<vmem>>, %arg6: memref<128x128xf32, #tpu.memory_space<vmem>>, %arg7: memref<48x16xf32, #tpu.memory_space<vmem>>, %arg8: memref<2048x128xf32, #tpu.memory_space<vmem>>, %arg9: memref<2048x16xf32, #tpu.memory_space<vmem>>) attributes {dimension_semantics = [#tpu.dimension_semantics<arbitrary>], iteration_bounds = array<i64: 80>, scalar_prefetch = 0 : i64, scratch_operands = 0 : i64, tpu.core_type = #tpu.core_type<tc>, window_params = [{transform_indices = @transform_0, window_bounds = array<i64: 2048, 16>}, {transform_indices = @transform_1, window_bounds = array<i64: 2048, 16>}, {transform_indices = @transform_2, window_bounds = array<i64: 2048, 16>}, {transform_indices = @transform_3, window_bounds = array<i64: 2048, 16>}, {pipeline_mode = #tpu.pipeline_mode<synchronous>, transform_indices = @transform_4, window_bounds = array<i64: 16, 128>}, {pipeline_mode = #tpu.pipeline_mode<synchronous>, transform_indices = @transform_5, window_bounds = array<i64: 128, 128>}, {pipeline_mode = #tpu.pipeline_mode<synchronous>, transform_indices = @transform_6, window_bounds = array<i64: 48, 16>}, {transform_indices = @transform_7, window_bounds = array<i64: 2048, 128>}, {transform_indices = @transform_8, window_bounds = array<i64: 2048, 16>}]} {
    %get3A = arith.constant 0 : index
    %get3A_0 = arith.constant 0 : index
    %get3A_1 = vector.load %arg1[%get3A, %get3A_0] : memref<2048x16xf32, #tpu.memory_space<vmem>>, vector<2048x16xf32>
    %get3A_2 = arith.constant 0 : index
    %get3A_3 = arith.constant 0 : index
    %get3A_4 = vector.load %arg2[%get3A_2, %get3A_3] : memref<2048x16xf32, #tpu.memory_space<vmem>>, vector<2048x16xf32>
    %get3A_5 = arith.constant 0 : index
    %get3A_6 = arith.constant 0 : index
    %get3A_7 = vector.load %arg3[%get3A_5, %get3A_6] : memref<2048x16xf32, #tpu.memory_space<vmem>>, vector<2048x16xf32>
    %get3A_8 = arith.constant 0 : index
    %get3A_9 = arith.constant 0 : index
    %get3A_10 = vector.load %arg4[%get3A_8, %get3A_9] : memref<2048x16xf32, #tpu.memory_space<vmem>>, vector<2048x16xf32>
    %get3A_11 = arith.constant 0 : index
    %get3A_12 = arith.constant 0 : index
    %get3A_13 = vector.load %arg7[%get3A_11, %get3A_12] : memref<48x16xf32, #tpu.memory_space<vmem>>, vector<48x16xf32>
    %slice3A = vector.extract_strided_slice %get3A_10 {offsets = [0, 8], sizes = [2048, 3], strides = [1, 1]} : vector<2048x16xf32> to vector<2048x3xf32>
    %slice3A_14 = vector.extract_strided_slice %slice3A {offsets = [0, 0], sizes = [2048, 1], strides = [1, 1]} : vector<2048x3xf32> to vector<2048x1xf32>
    %mul3A = vector.broadcast %slice3A_14 : vector<2048x1xf32> to vector<2048x16xf32>
    %mul3A_15 = arith.mulf %mul3A, %get3A_7 : vector<2048x16xf32>
    %slice3A_16 = vector.extract_strided_slice %slice3A {offsets = [0, 1], sizes = [2048, 1], strides = [1, 1]} : vector<2048x3xf32> to vector<2048x1xf32>
    %mul3A_17 = vector.broadcast %slice3A_16 : vector<2048x1xf32> to vector<2048x16xf32>
    %mul3A_18 = arith.mulf %mul3A_17, %get3A_7 : vector<2048x16xf32>
    %slice3A_19 = vector.extract_strided_slice %slice3A {offsets = [0, 2], sizes = [2048, 1], strides = [1, 1]} : vector<2048x3xf32> to vector<2048x1xf32>
    %mul3A_20 = vector.broadcast %slice3A_19 : vector<2048x1xf32> to vector<2048x16xf32>
    %mul3A_21 = arith.mulf %mul3A_20, %get3A_7 : vector<2048x16xf32>
    %concatenate3A = tpu.concatenate %mul3A_15, %mul3A_18, %mul3A_21 in 1 : vector<2048x16xf32>, vector<2048x16xf32>, vector<2048x16xf32> -> vector<2048x48xf32>
    %dot_general3A = arith.constant dense<0.000000e+00> : vector<2048x16xf32>
    %dot_general3A_22 = tpu.matmul %concatenate3A, %get3A_13, %dot_general3A {dimension_numbers = #tpu.dot_dimension_numbers<[1], [0], [0], [1], [0, 0, 1, 1], [], []>, transpose_lhs_hint = false} : vector<2048x48xf32>, vector<48x16xf32>, vector<2048x16xf32> -> vector<2048x16xf32>
    %sub3A = arith.subf %get3A_1, %get3A_4 : vector<2048x16xf32>
    %add3A = arith.addf %sub3A, %dot_general3A_22 : vector<2048x16xf32>
    %swap3A = arith.constant 0 : index
    %swap3A_23 = arith.constant 0 : index
    %swap3A_24 = vector.load %arg9[%swap3A, %swap3A_23] : memref<2048x16xf32, #tpu.memory_space<vmem>>, vector<2048x16xf32>
    tpu.vector_store %arg9[%swap3A, %swap3A_23], %add3A {strides = array<i32>} : memref<2048x16xf32, #tpu.memory_space<vmem>>, vector<2048x16xf32>,
    %get3A_25 = arith.constant 0 : index
    %get3A_26 = arith.constant 0 : index
    %get3A_27 = vector.load %arg5[%get3A_25, %get3A_26] : memref<16x128xf32, #tpu.memory_space<vmem>>, vector<16x128xf32>
    %dot_general3A_28 = arith.constant dense<0.000000e+00> : vector<2048x128xf32>
    %dot_general3A_29 = tpu.matmul %add3A, %get3A_27, %dot_general3A_28 {dimension_numbers = #tpu.dot_dimension_numbers<[1], [0], [0], [1], [0, 0, 1, 1], [], []>, transpose_lhs_hint = false} : vector<2048x16xf32>, vector<16x128xf32>, vector<2048x128xf32> -> vector<2048x128xf32>
    %neg3A = arith.constant 0.000000e+00 : f32
    %neg3A_30 = vector.broadcast %neg3A : f32 to vector<2048x128xf32>
    %neg3A_31 = arith.subf %neg3A_30, %dot_general3A_29 : vector<2048x128xf32>
    %exp3A = math.exp %neg3A_31 : vector<2048x128xf32>
    %add3A_32 = arith.constant 1.000000e+00 : f32
    %add3A_33 = vector.broadcast %add3A_32 : f32 to vector<2048x128xf32>
    %add3A_34 = arith.addf %add3A_33, %exp3A : vector<2048x128xf32>
    %div3A = arith.constant 1.000000e+00 : f32
    %div3A_35 = vector.broadcast %div3A : f32 to vector<2048x128xf32>
    %div3A_36 = arith.divf %div3A_35, %add3A_34 : vector<2048x128xf32>
    %mul3A_37 = arith.mulf %dot_general3A_29, %div3A_36 : vector<2048x128xf32>
    %get3A_38 = arith.constant 0 : index
    %get3A_39 = arith.constant 0 : index
    %get3A_40 = vector.load %arg6[%get3A_38, %get3A_39] : memref<128x128xf32, #tpu.memory_space<vmem>>, vector<128x128xf32>
    %dot_general3A_41 = arith.constant dense<0.000000e+00> : vector<2048x128xf32>
    %dot_general3A_42 = tpu.matmul %mul3A_37, %get3A_40, %dot_general3A_41 {dimension_numbers = #tpu.dot_dimension_numbers<[1], [0], [0], [1], [0, 0, 1, 1], [], []>, transpose_lhs_hint = false} : vector<2048x128xf32>, vector<128x128xf32>, vector<2048x128xf32> -> vector<2048x128xf32>
    %neg3A_43 = arith.constant 0.000000e+00 : f32
    %neg3A_44 = vector.broadcast %neg3A_43 : f32 to vector<2048x128xf32>
    %neg3A_45 = arith.subf %neg3A_44, %dot_general3A_42 : vector<2048x128xf32>
    %exp3A_46 = math.exp %neg3A_45 : vector<2048x128xf32>
    %add3A_47 = arith.constant 1.000000e+00 : f32
    %add3A_48 = vector.broadcast %add3A_47 : f32 to vector<2048x128xf32>
    %add3A_49 = arith.addf %add3A_48, %exp3A_46 : vector<2048x128xf32>
    %div3A_50 = arith.constant 1.000000e+00 : f32
    %div3A_51 = vector.broadcast %div3A_50 : f32 to vector<2048x128xf32>
    %div3A_52 = arith.divf %div3A_51, %add3A_49 : vector<2048x128xf32>
    %mul3A_53 = arith.mulf %dot_general3A_42, %div3A_52 : vector<2048x128xf32>
    %swap3A_54 = arith.constant 0 : index
    %swap3A_55 = arith.constant 0 : index
    %swap3A_56 = vector.load %arg8[%swap3A_54, %swap3A_55] : memref<2048x128xf32, #tpu.memory_space<vmem>>, vector<2048x128xf32>
    tpu.vector_store %arg8[%swap3A_54, %swap3A_55], %mul3A_53 {strides = array<i32>} : memref<2048x128xf32, #tpu.memory_space<vmem>>, vector<2048x128xf32>,
    return
  }
  func.func @transform_0(%arg0: i32) -> (i32, i32) {
    %c0_i32 = arith.constant 0 : i32
    %c0_i32_0 = arith.constant 0 : i32
    return %arg0, %c0_i32 : i32, i32
  }
  func.func @transform_1(%arg0: i32) -> (i32, i32) {
    %c0_i32 = arith.constant 0 : i32
    %c0_i32_0 = arith.constant 0 : i32
    return %arg0, %c0_i32 : i32, i32
  }
  func.func @transform_2(%arg0: i32) -> (i32, i32) {
    %c0_i32 = arith.constant 0 : i32
    %c0_i32_0 = arith.constant 0 : i32
    return %arg0, %c0_i32 : i32, i32
  }
  func.func @transform_3(%arg0: i32) -> (i32, i32) {
    %c0_i32 = arith.constant 0 : i32
    %c0_i32_0 = arith.constant 0 : i32
    return %arg0, %c0_i32 : i32, i32
  }
  func.func @transform_4(%arg0: i32) -> (i32, i32) {
    %c0_i32 = arith.constant 0 : i32
    %c0_i32_0 = arith.constant 0 : i32
    %c0_i32_1 = arith.constant 0 : i32
    return %c0_i32, %c0_i32_0 : i32, i32
  }
  func.func @transform_5(%arg0: i32) -> (i32, i32) {
    %c0_i32 = arith.constant 0 : i32
    %c0_i32_0 = arith.constant 0 : i32
    %c0_i32_1 = arith.constant 0 : i32
    return %c0_i32, %c0_i32_0 : i32, i32
  }
  func.func @transform_6(%arg0: i32) -> (i32, i32) {
    %c0_i32 = arith.constant 0 : i32
    %c0_i32_0 = arith.constant 0 : i32
    %c0_i32_1 = arith.constant 0 : i32
    return %c0_i32, %c0_i32_0 : i32, i32
  }
  func.func @transform_7(%arg0: i32) -> (i32, i32) {
    %c0_i32 = arith.constant 0 : i32
    %c0_i32_0 = arith.constant 0 : i32
    return %arg0, %c0_i32 : i32, i32
  }
  func.func @transform_8(%arg0: i32) -> (i32, i32) {
    %c0_i32 = arith.constant 0 : i32
    %c0_i32_0 = arith.constant 0 : i32
    return %arg0, %c0_i32 : i32, i32
  }
}

module attributes {stable_mosaic.version = 14 : i64} {
  func.func @_node_body(%arg0: i32, %arg1: memref<1000x128xf32, #tpu.memory_space<vmem>>, %arg2: memref<1000x128xf32, #tpu.memory_space<vmem>>, %arg3: memref<1000x64xf32, #tpu.memory_space<vmem>>, %arg4: memref<1000x8xf32, #tpu.memory_space<vmem>>, %arg5: memref<64x128xf32, #tpu.memory_space<vmem>>, %arg6: memref<128x128xf32, #tpu.memory_space<vmem>>, %arg7: memref<8x128xf32, #tpu.memory_space<vmem>>, %arg8: memref<128x128xf32, #tpu.memory_space<vmem>>, %arg9: memref<1000x128xf32, #tpu.memory_space<vmem>>, %arg10: memref<8x128xf32, #tpu.memory_space<vmem>>, %arg11: memref<8x128xf32, #tpu.memory_space<vmem>>) attributes {dimension_semantics = [#tpu.dimension_semantics<arbitrary>], iteration_bounds = array<i64: 10>, scalar_prefetch = 0 : i64, scratch_operands = 1 : i64, tpu.core_type = #tpu.core_type<tc>, window_params = [{transform_indices = @transform_0, window_bounds = array<i64: 1000, 128>}, {transform_indices = @transform_1, window_bounds = array<i64: 1000, 128>}, {transform_indices = @transform_2, window_bounds = array<i64: 1000, 64>}, {transform_indices = @transform_3, window_bounds = array<i64: 1000, 8>}, {pipeline_mode = #tpu.pipeline_mode<synchronous>, transform_indices = @transform_4, window_bounds = array<i64: 64, 128>}, {pipeline_mode = #tpu.pipeline_mode<synchronous>, transform_indices = @transform_5, window_bounds = array<i64: 128, 128>}, {pipeline_mode = #tpu.pipeline_mode<synchronous>, transform_indices = @transform_6, window_bounds = array<i64: 8, 128>}, {pipeline_mode = #tpu.pipeline_mode<synchronous>, transform_indices = @transform_7, window_bounds = array<i64: 128, 128>}, {transform_indices = @transform_8, window_bounds = array<i64: 1000, 128>}, {pipeline_mode = #tpu.pipeline_mode<synchronous>, transform_indices = @transform_9, window_bounds = array<i64: 8, 128>}]} {
    %get3A = arith.constant 0 : index
    %get3A_0 = arith.constant 0 : index
    %get3A_1 = vector.load %arg1[%get3A, %get3A_0] : memref<1000x128xf32, #tpu.memory_space<vmem>>, vector<1000x128xf32>
    %get3A_2 = arith.constant 0 : index
    %get3A_3 = arith.constant 0 : index
    %get3A_4 = vector.load %arg2[%get3A_2, %get3A_3] : memref<1000x128xf32, #tpu.memory_space<vmem>>, vector<1000x128xf32>
    %add3A = arith.addf %get3A_1, %get3A_4 : vector<1000x128xf32>
    %get3A_5 = arith.constant 0 : index
    %get3A_6 = arith.constant 0 : index
    %get3A_7 = vector.load %arg3[%get3A_5, %get3A_6] : memref<1000x64xf32, #tpu.memory_space<vmem>>, vector<1000x64xf32>
    %get3A_8 = arith.constant 0 : index
    %get3A_9 = arith.constant 0 : index
    %get3A_10 = vector.load %arg5[%get3A_8, %get3A_9] : memref<64x128xf32, #tpu.memory_space<vmem>>, vector<64x128xf32>
    %dot_general3A = arith.constant dense<0.000000e+00> : vector<1000x128xf32>
    %dot_general3A_11 = tpu.matmul %get3A_7, %get3A_10, %dot_general3A {dimension_numbers = #tpu.dot_dimension_numbers<[1], [0], [0], [1], [0, 0, 1, 1], [], []>, precision = #tpu.contract_precision<fp32>, transpose_lhs_hint = false} : vector<1000x64xf32>, vector<64x128xf32>, vector<1000x128xf32> -> vector<1000x128xf32>
    %add3A_12 = arith.addf %add3A, %dot_general3A_11 : vector<1000x128xf32>
    %get3A_13 = arith.constant 0 : index
    %get3A_14 = arith.constant 0 : index
    %get3A_15 = vector.load %arg4[%get3A_13, %get3A_14] : memref<1000x8xf32, #tpu.memory_space<vmem>>, vector<1000x8xf32>
    %slice3A = vector.extract_strided_slice %get3A_15 {offsets = [0, 0], sizes = [1000, 1], strides = [1, 1]} : vector<1000x8xf32> to vector<1000x1xf32>
    %slice3A_16 = vector.extract_strided_slice %get3A_15 {offsets = [0, 1], sizes = [1000, 1], strides = [1, 1]} : vector<1000x8xf32> to vector<1000x1xf32>
    %add3A_17 = arith.addf %slice3A, %slice3A_16 : vector<1000x1xf32>
    %get3A_18 = arith.constant 0 : index
    %get3A_19 = arith.constant 0 : index
    %get3A_20 = vector.load %arg6[%get3A_18, %get3A_19] : memref<128x128xf32, #tpu.memory_space<vmem>>, vector<128x128xf32>
    %dot_general3A_21 = arith.constant dense<0.000000e+00> : vector<1000x128xf32>
    %dot_general3A_22 = tpu.matmul %add3A_12, %get3A_20, %dot_general3A_21 {dimension_numbers = #tpu.dot_dimension_numbers<[1], [0], [0], [1], [0, 0, 1, 1], [], []>, transpose_lhs_hint = false} : vector<1000x128xf32>, vector<128x128xf32>, vector<1000x128xf32> -> vector<1000x128xf32>
    %get3A_23 = arith.constant 0 : index
    %get3A_24 = arith.constant 0 : index
    %get3A_25 = vector.load %arg7[%get3A_23, %get3A_24] : memref<8x128xf32, #tpu.memory_space<vmem>>, vector<1x128xf32>
    %convert_element_type3A = arith.truncf %get3A_25 : vector<1x128xf32> to vector<1x128xbf16>
    %convert_element_type3A_26 = arith.extf %convert_element_type3A : vector<1x128xbf16> to vector<1x128xf32>
    %neg3A = arith.constant 0.000000e+00 : f32
    %neg3A_27 = vector.broadcast %neg3A : f32 to vector<1000x128xf32>
    %neg3A_28 = arith.subf %neg3A_27, %dot_general3A_22 : vector<1000x128xf32>
    %exp3A = math.exp %neg3A_28 : vector<1000x128xf32>
    %add3A_29 = arith.constant 1.000000e+00 : f32
    %add3A_30 = vector.broadcast %add3A_29 : f32 to vector<1000x128xf32>
    %add3A_31 = arith.addf %add3A_30, %exp3A : vector<1000x128xf32>
    %div3A = arith.constant 1.000000e+00 : f32
    %div3A_32 = vector.broadcast %div3A : f32 to vector<1000x128xf32>
    %div3A_33 = arith.divf %div3A_32, %add3A_31 : vector<1000x128xf32>
    %mul3A = arith.mulf %dot_general3A_22, %div3A_33 : vector<1000x128xf32>
    %convert_element_type3A_34 = arith.truncf %mul3A : vector<1000x128xf32> to vector<1000x128xbf16>
    %convert_element_type3A_35 = arith.extf %convert_element_type3A_34 : vector<1000x128xbf16> to vector<1000x128xf32>
    %mul3A_36 = vector.broadcast %convert_element_type3A_26 : vector<1x128xf32> to vector<1000x128xf32>
    %mul3A_37 = arith.mulf %convert_element_type3A_35, %mul3A_36 : vector<1000x128xf32>
    %reduce_sum3A = arith.constant dense<0.000000e+00> : vector<1000xf32>
    %reduce_sum3A_38 = vector.multi_reduction <add>, %mul3A_37, %reduce_sum3A [1] : vector<1000x128xf32> to vector<1000xf32>
    %broadcast_in_dim3A = vector.shape_cast %reduce_sum3A_38 : vector<1000xf32> to vector<1000x1xf32>
    %mul3A_39 = arith.mulf %broadcast_in_dim3A, %add3A_17 : vector<1000x1xf32>
    %mul3A_40 = vector.broadcast %mul3A_39 : vector<1000x1xf32> to vector<1000x8xf32>
    %mul3A_41 = arith.mulf %get3A_15, %mul3A_40 : vector<1000x8xf32>
    %reduce_sum3A_42 = arith.constant dense<0.000000e+00> : vector<8xf32>
    %reduce_sum3A_43 = vector.multi_reduction <add>, %mul3A_41, %reduce_sum3A_42 [0] : vector<1000x8xf32> to vector<8xf32>
    %broadcast_in_dim3A_44 = vector.shape_cast %reduce_sum3A_43 : vector<8xf32> to vector<1x8xf32>
    %get3A_45 = arith.constant 0 : index
    %get3A_46 = arith.constant 0 : index
    %get3A_47 = vector.load %arg7[%get3A_45, %get3A_46] : memref<8x128xf32, #tpu.memory_space<vmem>>, vector<1x128xf32>
    %neg3A_48 = arith.constant 0.000000e+00 : f32
    %neg3A_49 = vector.broadcast %neg3A_48 : f32 to vector<1000x128xf32>
    %neg3A_50 = arith.subf %neg3A_49, %dot_general3A_22 : vector<1000x128xf32>
    %exp3A_51 = math.exp %neg3A_50 : vector<1000x128xf32>
    %add3A_52 = arith.constant 1.000000e+00 : f32
    %add3A_53 = vector.broadcast %add3A_52 : f32 to vector<1000x128xf32>
    %add3A_54 = arith.addf %add3A_53, %exp3A_51 : vector<1000x128xf32>
    %div3A_55 = arith.constant 1.000000e+00 : f32
    %div3A_56 = vector.broadcast %div3A_55 : f32 to vector<1000x128xf32>
    %div3A_57 = arith.divf %div3A_56, %add3A_54 : vector<1000x128xf32>
    %sub3A = arith.constant 1.000000e+00 : f32
    %sub3A_58 = vector.broadcast %sub3A : f32 to vector<1000x128xf32>
    %sub3A_59 = arith.subf %sub3A_58, %div3A_57 : vector<1000x128xf32>
    %mul3A_60 = arith.mulf %dot_general3A_22, %sub3A_59 : vector<1000x128xf32>
    %add3A_61 = arith.constant 1.000000e+00 : f32
    %add3A_62 = vector.broadcast %add3A_61 : f32 to vector<1000x128xf32>
    %add3A_63 = arith.addf %add3A_62, %mul3A_60 : vector<1000x128xf32>
    %mul3A_64 = arith.mulf %div3A_57, %add3A_63 : vector<1000x128xf32>
    %mul3A_65 = vector.broadcast %get3A_47 : vector<1x128xf32> to vector<1000x128xf32>
    %mul3A_66 = vector.broadcast %add3A_17 : vector<1000x1xf32> to vector<1000x128xf32>
    %mul3A_67 = arith.mulf %mul3A_65, %mul3A_66 : vector<1000x128xf32>
    %mul3A_68 = arith.mulf %mul3A_64, %mul3A_67 : vector<1000x128xf32>
    %get3A_69 = arith.constant 0 : index
    %get3A_70 = arith.constant 0 : index
    %get3A_71 = vector.load %arg8[%get3A_69, %get3A_70] : memref<128x128xf32, #tpu.memory_space<vmem>>, vector<128x128xf32>
    %dot_general3A_72 = arith.constant dense<0.000000e+00> : vector<1000x128xf32>
    %dot_general3A_73 = tpu.matmul %mul3A_68, %get3A_71, %dot_general3A_72 {dimension_numbers = #tpu.dot_dimension_numbers<[1], [0], [0], [1], [0, 0, 1, 1], [], []>, transpose_lhs_hint = false} : vector<1000x128xf32>, vector<128x128xf32>, vector<1000x128xf32> -> vector<1000x128xf32>
    %swap3A = arith.constant 0 : index
    %swap3A_74 = arith.constant 0 : index
    %swap3A_75 = vector.load %arg9[%swap3A, %swap3A_74] : memref<1000x128xf32, #tpu.memory_space<vmem>>, vector<1000x128xf32>
    tpu.vector_store %arg9[%swap3A, %swap3A_74], %dot_general3A_73 {strides = array<i32>} : memref<1000x128xf32, #tpu.memory_space<vmem>>, vector<1000x128xf32>,
    %eq3A = arith.constant 0 : i32
    %eq3A_76 = arith.cmpi eq, %arg0, %eq3A : i32
    %convert_element_type3A_77 = arith.extui %eq3A_76 : i1 to i32
    %cond3A = arith.constant 0 : i32
    %cond3A_78 = arith.cmpi ne, %convert_element_type3A_77, %cond3A : i32
    scf.if %cond3A_78 {
      %broadcast_in_dim3A_92 = arith.constant 0.000000e+00 : f32
      %broadcast_in_dim3A_93 = vector.broadcast %broadcast_in_dim3A_92 : f32 to vector<8x128xf32>
      %swap3A_94 = arith.constant 0 : index
      %swap3A_95 = arith.constant 0 : index
      %swap3A_96 = vector.load %arg11[%swap3A_94, %swap3A_95] : memref<8x128xf32, #tpu.memory_space<vmem>>, vector<8x128xf32>
      tpu.vector_store %arg11[%swap3A_94, %swap3A_95], %broadcast_in_dim3A_93 {strides = array<i32>} : memref<8x128xf32, #tpu.memory_space<vmem>>, vector<8x128xf32>,
    } else {
    }
    %get3A_79 = arith.constant 0 : index
    %get3A_80 = arith.constant 0 : index
    %get3A_81 = vector.load %arg11[%get3A_79, %get3A_80] : memref<8x128xf32, #tpu.memory_space<vmem>>, vector<1x8xf32>
    %add3A_82 = arith.addf %get3A_81, %broadcast_in_dim3A_44 : vector<1x8xf32>
    %swap3A_83 = arith.constant 0 : index
    %swap3A_84 = arith.constant 0 : index
    %swap3A_85 = vector.load %arg11[%swap3A_83, %swap3A_84] : memref<8x128xf32, #tpu.memory_space<vmem>>, vector<1x8xf32>
    tpu.vector_store %arg11[%swap3A_83, %swap3A_84], %add3A_82 {strides = array<i32>} : memref<8x128xf32, #tpu.memory_space<vmem>>, vector<1x8xf32>,
    %get3A_86 = arith.constant 0 : index
    %get3A_87 = arith.constant 0 : index
    %get3A_88 = vector.load %arg11[%get3A_86, %get3A_87] : memref<8x128xf32, #tpu.memory_space<vmem>>, vector<8x128xf32>
    %swap3A_89 = arith.constant 0 : index
    %swap3A_90 = arith.constant 0 : index
    %swap3A_91 = vector.load %arg10[%swap3A_89, %swap3A_90] : memref<8x128xf32, #tpu.memory_space<vmem>>, vector<8x128xf32>
    tpu.vector_store %arg10[%swap3A_89, %swap3A_90], %get3A_88 {strides = array<i32>} : memref<8x128xf32, #tpu.memory_space<vmem>>, vector<8x128xf32>,
    return
  }
  func.func @transform_0(%arg0: i32) -> (i32, i32) {
    %c0_i32 = arith.constant 0 : i32
    %c0_i32_0 = arith.constant 0 : i32
    return %arg0, %c0_i32 : i32, i32
  }
  func.func @transform_1(%arg0: i32) -> (i32, i32) {
    %c0_i32 = arith.constant 0 : i32
    %c0_i32_0 = arith.constant 0 : i32
    return %arg0, %c0_i32 : i32, i32
  }
  func.func @transform_2(%arg0: i32) -> (i32, i32) {
    %c0_i32 = arith.constant 0 : i32
    %c0_i32_0 = arith.constant 0 : i32
    return %arg0, %c0_i32 : i32, i32
  }
  func.func @transform_3(%arg0: i32) -> (i32, i32) {
    %c0_i32 = arith.constant 0 : i32
    %c0_i32_0 = arith.constant 0 : i32
    return %arg0, %c0_i32 : i32, i32
  }
  func.func @transform_4(%arg0: i32) -> (i32, i32) {
    %c0_i32 = arith.constant 0 : i32
    %c0_i32_0 = arith.constant 0 : i32
    %c0_i32_1 = arith.constant 0 : i32
    return %c0_i32, %c0_i32_0 : i32, i32
  }
  func.func @transform_5(%arg0: i32) -> (i32, i32) {
    %c0_i32 = arith.constant 0 : i32
    %c0_i32_0 = arith.constant 0 : i32
    %c0_i32_1 = arith.constant 0 : i32
    return %c0_i32, %c0_i32_0 : i32, i32
  }
  func.func @transform_6(%arg0: i32) -> (i32, i32) {
    %c0_i32 = arith.constant 0 : i32
    %c0_i32_0 = arith.constant 0 : i32
    %c0_i32_1 = arith.constant 0 : i32
    return %c0_i32, %c0_i32_0 : i32, i32
  }
  func.func @transform_7(%arg0: i32) -> (i32, i32) {
    %c0_i32 = arith.constant 0 : i32
    %c0_i32_0 = arith.constant 0 : i32
    %c0_i32_1 = arith.constant 0 : i32
    return %c0_i32, %c0_i32_0 : i32, i32
  }
  func.func @transform_8(%arg0: i32) -> (i32, i32) {
    %c0_i32 = arith.constant 0 : i32
    %c0_i32_0 = arith.constant 0 : i32
    return %arg0, %c0_i32 : i32, i32
  }
  func.func @transform_9(%arg0: i32) -> (i32, i32) {
    %c0_i32 = arith.constant 0 : i32
    %c0_i32_0 = arith.constant 0 : i32
    %c0_i32_1 = arith.constant 0 : i32
    return %c0_i32, %c0_i32_0 : i32, i32
  }
}

module attributes {stable_mosaic.version = 14 : i64} {
  func.func @_edge_bwd_body(%arg0: i32, %arg1: memref<2048x16xf32, #tpu.memory_space<vmem>>, %arg2: memref<2048x16xf32, #tpu.memory_space<vmem>>, %arg3: memref<2048x16xf32, #tpu.memory_space<vmem>>, %arg4: memref<2048x128xf32, #tpu.memory_space<vmem>>, %arg5: memref<16x128xf32, #tpu.memory_space<vmem>>, %arg6: memref<128x128xf32, #tpu.memory_space<vmem>>, %arg7: memref<128x128xf32, #tpu.memory_space<vmem>>, %arg8: memref<128x16xf32, #tpu.memory_space<vmem>>, %arg9: memref<2048x16xf32, #tpu.memory_space<vmem>>, %arg10: memref<16x16xf32, #tpu.memory_space<vmem>>, %arg11: memref<16x16xf32, #tpu.memory_space<vmem>>) attributes {dimension_semantics = [#tpu.dimension_semantics<arbitrary>], iteration_bounds = array<i64: 80>, scalar_prefetch = 0 : i64, scratch_operands = 1 : i64, tpu.core_type = #tpu.core_type<tc>, window_params = [{transform_indices = @transform_0, window_bounds = array<i64: 2048, 16>}, {transform_indices = @transform_1, window_bounds = array<i64: 2048, 16>}, {transform_indices = @transform_2, window_bounds = array<i64: 2048, 16>}, {transform_indices = @transform_3, window_bounds = array<i64: 2048, 128>}, {pipeline_mode = #tpu.pipeline_mode<synchronous>, transform_indices = @transform_4, window_bounds = array<i64: 16, 128>}, {pipeline_mode = #tpu.pipeline_mode<synchronous>, transform_indices = @transform_5, window_bounds = array<i64: 128, 128>}, {pipeline_mode = #tpu.pipeline_mode<synchronous>, transform_indices = @transform_6, window_bounds = array<i64: 128, 128>}, {pipeline_mode = #tpu.pipeline_mode<synchronous>, transform_indices = @transform_7, window_bounds = array<i64: 128, 16>}, {transform_indices = @transform_8, window_bounds = array<i64: 2048, 16>}, {pipeline_mode = #tpu.pipeline_mode<synchronous>, transform_indices = @transform_9, window_bounds = array<i64: 16, 16>}]} {
    %get3A = arith.constant 0 : index
    %get3A_0 = arith.constant 0 : index
    %get3A_1 = vector.load %arg1[%get3A, %get3A_0] : memref<2048x16xf32, #tpu.memory_space<vmem>>, vector<2048x16xf32>
    %get3A_2 = arith.constant 0 : index
    %get3A_3 = arith.constant 0 : index
    %get3A_4 = vector.load %arg2[%get3A_2, %get3A_3] : memref<2048x16xf32, #tpu.memory_space<vmem>>, vector<2048x16xf32>
    %get3A_5 = arith.constant 0 : index
    %get3A_6 = arith.constant 0 : index
    %get3A_7 = vector.load %arg3[%get3A_5, %get3A_6] : memref<2048x16xf32, #tpu.memory_space<vmem>>, vector<2048x16xf32>
    %get3A_8 = arith.constant 0 : index
    %get3A_9 = arith.constant 0 : index
    %get3A_10 = vector.load %arg5[%get3A_8, %get3A_9] : memref<16x128xf32, #tpu.memory_space<vmem>>, vector<16x128xf32>
    %dot_general3A = arith.constant dense<0.000000e+00> : vector<2048x128xf32>
    %dot_general3A_11 = tpu.matmul %get3A_1, %get3A_10, %dot_general3A {dimension_numbers = #tpu.dot_dimension_numbers<[1], [0], [0], [1], [0, 0, 1, 1], [], []>, transpose_lhs_hint = false} : vector<2048x16xf32>, vector<16x128xf32>, vector<2048x128xf32> -> vector<2048x128xf32>
    %neg3A = arith.constant 0.000000e+00 : f32
    %neg3A_12 = vector.broadcast %neg3A : f32 to vector<2048x128xf32>
    %neg3A_13 = arith.subf %neg3A_12, %dot_general3A_11 : vector<2048x128xf32>
    %exp3A = math.exp %neg3A_13 : vector<2048x128xf32>
    %add3A = arith.constant 1.000000e+00 : f32
    %add3A_14 = vector.broadcast %add3A : f32 to vector<2048x128xf32>
    %add3A_15 = arith.addf %add3A_14, %exp3A : vector<2048x128xf32>
    %div3A = arith.constant 1.000000e+00 : f32
    %div3A_16 = vector.broadcast %div3A : f32 to vector<2048x128xf32>
    %div3A_17 = arith.divf %div3A_16, %add3A_15 : vector<2048x128xf32>
    %mul3A = arith.mulf %dot_general3A_11, %div3A_17 : vector<2048x128xf32>
    %get3A_18 = arith.constant 0 : index
    %get3A_19 = arith.constant 0 : index
    %get3A_20 = vector.load %arg6[%get3A_18, %get3A_19] : memref<128x128xf32, #tpu.memory_space<vmem>>, vector<128x128xf32>
    %dot_general3A_21 = arith.constant dense<0.000000e+00> : vector<2048x128xf32>
    %dot_general3A_22 = tpu.matmul %mul3A, %get3A_20, %dot_general3A_21 {dimension_numbers = #tpu.dot_dimension_numbers<[1], [0], [0], [1], [0, 0, 1, 1], [], []>, transpose_lhs_hint = false} : vector<2048x128xf32>, vector<128x128xf32>, vector<2048x128xf32> -> vector<2048x128xf32>
    %get3A_23 = arith.constant 0 : index
    %get3A_24 = arith.constant 0 : index
    %get3A_25 = vector.load %arg4[%get3A_23, %get3A_24] : memref<2048x128xf32, #tpu.memory_space<vmem>>, vector<2048x128xf32>
    %neg3A_26 = arith.constant 0.000000e+00 : f32
    %neg3A_27 = vector.broadcast %neg3A_26 : f32 to vector<2048x128xf32>
    %neg3A_28 = arith.subf %neg3A_27, %dot_general3A_22 : vector<2048x128xf32>
    %exp3A_29 = math.exp %neg3A_28 : vector<2048x128xf32>
    %add3A_30 = arith.constant 1.000000e+00 : f32
    %add3A_31 = vector.broadcast %add3A_30 : f32 to vector<2048x128xf32>
    %add3A_32 = arith.addf %add3A_31, %exp3A_29 : vector<2048x128xf32>
    %div3A_33 = arith.constant 1.000000e+00 : f32
    %div3A_34 = vector.broadcast %div3A_33 : f32 to vector<2048x128xf32>
    %div3A_35 = arith.divf %div3A_34, %add3A_32 : vector<2048x128xf32>
    %sub3A = arith.constant 1.000000e+00 : f32
    %sub3A_36 = vector.broadcast %sub3A : f32 to vector<2048x128xf32>
    %sub3A_37 = arith.subf %sub3A_36, %div3A_35 : vector<2048x128xf32>
    %mul3A_38 = arith.mulf %dot_general3A_22, %sub3A_37 : vector<2048x128xf32>
    %add3A_39 = arith.constant 1.000000e+00 : f32
    %add3A_40 = vector.broadcast %add3A_39 : f32 to vector<2048x128xf32>
    %add3A_41 = arith.addf %add3A_40, %mul3A_38 : vector<2048x128xf32>
    %mul3A_42 = arith.mulf %div3A_35, %add3A_41 : vector<2048x128xf32>
    %mul3A_43 = arith.mulf %get3A_25, %mul3A_42 : vector<2048x128xf32>
    %get3A_44 = arith.constant 0 : index
    %get3A_45 = arith.constant 0 : index
    %get3A_46 = vector.load %arg7[%get3A_44, %get3A_45] : memref<128x128xf32, #tpu.memory_space<vmem>>, vector<128x128xf32>
    %dot_general3A_47 = arith.constant dense<0.000000e+00> : vector<2048x128xf32>
    %dot_general3A_48 = tpu.matmul %mul3A_43, %get3A_46, %dot_general3A_47 {dimension_numbers = #tpu.dot_dimension_numbers<[1], [0], [0], [1], [0, 0, 1, 1], [], []>, transpose_lhs_hint = false} : vector<2048x128xf32>, vector<128x128xf32>, vector<2048x128xf32> -> vector<2048x128xf32>
    %neg3A_49 = arith.constant 0.000000e+00 : f32
    %neg3A_50 = vector.broadcast %neg3A_49 : f32 to vector<2048x128xf32>
    %neg3A_51 = arith.subf %neg3A_50, %dot_general3A_11 : vector<2048x128xf32>
    %exp3A_52 = math.exp %neg3A_51 : vector<2048x128xf32>
    %add3A_53 = arith.constant 1.000000e+00 : f32
    %add3A_54 = vector.broadcast %add3A_53 : f32 to vector<2048x128xf32>
    %add3A_55 = arith.addf %add3A_54, %exp3A_52 : vector<2048x128xf32>
    %div3A_56 = arith.constant 1.000000e+00 : f32
    %div3A_57 = vector.broadcast %div3A_56 : f32 to vector<2048x128xf32>
    %div3A_58 = arith.divf %div3A_57, %add3A_55 : vector<2048x128xf32>
    %sub3A_59 = arith.constant 1.000000e+00 : f32
    %sub3A_60 = vector.broadcast %sub3A_59 : f32 to vector<2048x128xf32>
    %sub3A_61 = arith.subf %sub3A_60, %div3A_58 : vector<2048x128xf32>
    %mul3A_62 = arith.mulf %dot_general3A_11, %sub3A_61 : vector<2048x128xf32>
    %add3A_63 = arith.constant 1.000000e+00 : f32
    %add3A_64 = vector.broadcast %add3A_63 : f32 to vector<2048x128xf32>
    %add3A_65 = arith.addf %add3A_64, %mul3A_62 : vector<2048x128xf32>
    %mul3A_66 = arith.mulf %div3A_58, %add3A_65 : vector<2048x128xf32>
    %mul3A_67 = arith.mulf %dot_general3A_48, %mul3A_66 : vector<2048x128xf32>
    %get3A_68 = arith.constant 0 : index
    %get3A_69 = arith.constant 0 : index
    %get3A_70 = vector.load %arg8[%get3A_68, %get3A_69] : memref<128x16xf32, #tpu.memory_space<vmem>>, vector<128x16xf32>
    %dot_general3A_71 = arith.constant dense<0.000000e+00> : vector<2048x16xf32>
    %dot_general3A_72 = tpu.matmul %mul3A_67, %get3A_70, %dot_general3A_71 {dimension_numbers = #tpu.dot_dimension_numbers<[1], [0], [0], [1], [0, 0, 1, 1], [], []>, transpose_lhs_hint = false} : vector<2048x128xf32>, vector<128x16xf32>, vector<2048x16xf32> -> vector<2048x16xf32>
    %slice3A = vector.extract_strided_slice %get3A_7 {offsets = [0, 8], sizes = [2048, 1], strides = [1, 1]} : vector<2048x16xf32> to vector<2048x1xf32>
    %slice3A_73 = vector.extract_strided_slice %get3A_7 {offsets = [0, 9], sizes = [2048, 1], strides = [1, 1]} : vector<2048x16xf32> to vector<2048x1xf32>
    %add3A_74 = arith.addf %slice3A, %slice3A_73 : vector<2048x1xf32>
    %slice3A_75 = vector.extract_strided_slice %get3A_7 {offsets = [0, 10], sizes = [2048, 1], strides = [1, 1]} : vector<2048x16xf32> to vector<2048x1xf32>
    %add3A_76 = arith.addf %add3A_74, %slice3A_75 : vector<2048x1xf32>
    %mul3A_77 = vector.broadcast %add3A_76 : vector<2048x1xf32> to vector<2048x16xf32>
    %mul3A_78 = arith.mulf %dot_general3A_72, %mul3A_77 : vector<2048x16xf32>
    %swap3A = arith.constant 0 : index
    %swap3A_79 = arith.constant 0 : index
    %swap3A_80 = vector.load %arg9[%swap3A, %swap3A_79] : memref<2048x16xf32, #tpu.memory_space<vmem>>, vector<2048x16xf32>
    tpu.vector_store %arg9[%swap3A, %swap3A_79], %mul3A_78 {strides = array<i32>} : memref<2048x16xf32, #tpu.memory_space<vmem>>, vector<2048x16xf32>,
    %slice3A_81 = vector.extract_strided_slice %get3A_4 {offsets = [0, 0], sizes = [2048, 3], strides = [1, 1]} : vector<2048x16xf32> to vector<2048x3xf32>
    %slice3A_82 = vector.extract_strided_slice %get3A_7 {offsets = [0, 8], sizes = [2048, 1], strides = [1, 1]} : vector<2048x16xf32> to vector<2048x1xf32>
    %mul3A_83 = vector.broadcast %slice3A_82 : vector<2048x1xf32> to vector<2048x3xf32>
    %mul3A_84 = arith.mulf %mul3A_83, %slice3A_81 : vector<2048x3xf32>
    %slice3A_85 = vector.extract_strided_slice %get3A_7 {offsets = [0, 9], sizes = [2048, 1], strides = [1, 1]} : vector<2048x16xf32> to vector<2048x1xf32>
    %mul3A_86 = vector.broadcast %slice3A_85 : vector<2048x1xf32> to vector<2048x3xf32>
    %mul3A_87 = arith.mulf %mul3A_86, %slice3A_81 : vector<2048x3xf32>
    %slice3A_88 = vector.extract_strided_slice %get3A_7 {offsets = [0, 10], sizes = [2048, 1], strides = [1, 1]} : vector<2048x16xf32> to vector<2048x1xf32>
    %mul3A_89 = vector.broadcast %slice3A_88 : vector<2048x1xf32> to vector<2048x3xf32>
    %mul3A_90 = arith.mulf %mul3A_89, %slice3A_81 : vector<2048x3xf32>
    %broadcast_in_dim3A = arith.constant 0.000000e+00 : f32
    %broadcast_in_dim3A_91 = vector.broadcast %broadcast_in_dim3A : f32 to vector<2048x7xf32>
    %concatenate3A = tpu.concatenate %mul3A_84, %mul3A_87, %mul3A_90, %broadcast_in_dim3A_91 in 1 : vector<2048x3xf32>, vector<2048x3xf32>, vector<2048x3xf32>, vector<2048x7xf32> -> vector<2048x16xf32>
    %dot_general3A_92 = arith.constant dense<0.000000e+00> : vector<16x16xf32>
    %dot_general3A_93 = tpu.matmul %concatenate3A, %mul3A_78, %dot_general3A_92 {dimension_numbers = #tpu.dot_dimension_numbers<[0], [0], [1], [1], [0, 1, 1, 1], [], []>, precision = #tpu.contract_precision<fp32>, transpose_lhs_hint = false} : vector<2048x16xf32>, vector<2048x16xf32>, vector<16x16xf32> -> vector<16x16xf32>
    %eq3A = arith.constant 0 : i32
    %eq3A_94 = arith.cmpi eq, %arg0, %eq3A : i32
    %convert_element_type3A = arith.extui %eq3A_94 : i1 to i32
    %cond3A = arith.constant 0 : i32
    %cond3A_95 = arith.cmpi ne, %convert_element_type3A, %cond3A : i32
    scf.if %cond3A_95 {
      %broadcast_in_dim3A_109 = arith.constant 0.000000e+00 : f32
      %broadcast_in_dim3A_110 = vector.broadcast %broadcast_in_dim3A_109 : f32 to vector<16x16xf32>
      %swap3A_111 = arith.constant 0 : index
      %swap3A_112 = arith.constant 0 : index
      %swap3A_113 = vector.load %arg11[%swap3A_111, %swap3A_112] : memref<16x16xf32, #tpu.memory_space<vmem>>, vector<16x16xf32>
      tpu.vector_store %arg11[%swap3A_111, %swap3A_112], %broadcast_in_dim3A_110 {strides = array<i32>} : memref<16x16xf32, #tpu.memory_space<vmem>>, vector<16x16xf32>,
    } else {
    }
    %get3A_96 = arith.constant 0 : index
    %get3A_97 = arith.constant 0 : index
    %get3A_98 = vector.load %arg11[%get3A_96, %get3A_97] : memref<16x16xf32, #tpu.memory_space<vmem>>, vector<16x16xf32>
    %add3A_99 = arith.addf %get3A_98, %dot_general3A_93 : vector<16x16xf32>
    %swap3A_100 = arith.constant 0 : index
    %swap3A_101 = arith.constant 0 : index
    %swap3A_102 = vector.load %arg11[%swap3A_100, %swap3A_101] : memref<16x16xf32, #tpu.memory_space<vmem>>, vector<16x16xf32>
    tpu.vector_store %arg11[%swap3A_100, %swap3A_101], %add3A_99 {strides = array<i32>} : memref<16x16xf32, #tpu.memory_space<vmem>>, vector<16x16xf32>,
    %get3A_103 = arith.constant 0 : index
    %get3A_104 = arith.constant 0 : index
    %get3A_105 = vector.load %arg11[%get3A_103, %get3A_104] : memref<16x16xf32, #tpu.memory_space<vmem>>, vector<16x16xf32>
    %swap3A_106 = arith.constant 0 : index
    %swap3A_107 = arith.constant 0 : index
    %swap3A_108 = vector.load %arg10[%swap3A_106, %swap3A_107] : memref<16x16xf32, #tpu.memory_space<vmem>>, vector<16x16xf32>
    tpu.vector_store %arg10[%swap3A_106, %swap3A_107], %get3A_105 {strides = array<i32>} : memref<16x16xf32, #tpu.memory_space<vmem>>, vector<16x16xf32>,
    return
  }
  func.func @transform_0(%arg0: i32) -> (i32, i32) {
    %c0_i32 = arith.constant 0 : i32
    %c0_i32_0 = arith.constant 0 : i32
    return %arg0, %c0_i32 : i32, i32
  }
  func.func @transform_1(%arg0: i32) -> (i32, i32) {
    %c0_i32 = arith.constant 0 : i32
    %c0_i32_0 = arith.constant 0 : i32
    return %arg0, %c0_i32 : i32, i32
  }
  func.func @transform_2(%arg0: i32) -> (i32, i32) {
    %c0_i32 = arith.constant 0 : i32
    %c0_i32_0 = arith.constant 0 : i32
    return %arg0, %c0_i32 : i32, i32
  }
  func.func @transform_3(%arg0: i32) -> (i32, i32) {
    %c0_i32 = arith.constant 0 : i32
    %c0_i32_0 = arith.constant 0 : i32
    return %arg0, %c0_i32 : i32, i32
  }
  func.func @transform_4(%arg0: i32) -> (i32, i32) {
    %c0_i32 = arith.constant 0 : i32
    %c0_i32_0 = arith.constant 0 : i32
    %c0_i32_1 = arith.constant 0 : i32
    return %c0_i32, %c0_i32_0 : i32, i32
  }
  func.func @transform_5(%arg0: i32) -> (i32, i32) {
    %c0_i32 = arith.constant 0 : i32
    %c0_i32_0 = arith.constant 0 : i32
    %c0_i32_1 = arith.constant 0 : i32
    return %c0_i32, %c0_i32_0 : i32, i32
  }
  func.func @transform_6(%arg0: i32) -> (i32, i32) {
    %c0_i32 = arith.constant 0 : i32
    %c0_i32_0 = arith.constant 0 : i32
    %c0_i32_1 = arith.constant 0 : i32
    return %c0_i32, %c0_i32_0 : i32, i32
  }
  func.func @transform_7(%arg0: i32) -> (i32, i32) {
    %c0_i32 = arith.constant 0 : i32
    %c0_i32_0 = arith.constant 0 : i32
    %c0_i32_1 = arith.constant 0 : i32
    return %c0_i32, %c0_i32_0 : i32, i32
  }
  func.func @transform_8(%arg0: i32) -> (i32, i32) {
    %c0_i32 = arith.constant 0 : i32
    %c0_i32_0 = arith.constant 0 : i32
    return %arg0, %c0_i32 : i32, i32
  }
  func.func @transform_9(%arg0: i32) -> (i32, i32) {
    %c0_i32 = arith.constant 0 : i32
    %c0_i32_0 = arith.constant 0 : i32
    %c0_i32_1 = arith.constant 0 : i32
    return %c0_i32, %c0_i32_0 : i32, i32
  }
}

module attributes {stable_mosaic.version = 14 : i64} {
  func.func @_force_body(%arg0: i32, %arg1: memref<2000x16xf32, #tpu.memory_space<vmem>>, %arg2: memref<2000x16xf32, #tpu.memory_space<vmem>>, %arg3: memref<2000x16xf32, #tpu.memory_space<vmem>>, %arg4: memref<2000x16xf32, #tpu.memory_space<vmem>>, %arg5: memref<2000x16xf32, #tpu.memory_space<vmem>>, %arg6: memref<2000x8xf32, #tpu.memory_space<vmem>>, %arg7: memref<2000x16xf32, #tpu.memory_space<vmem>>, %arg8: memref<16x16xf32, #tpu.memory_space<vmem>>, %arg9: memref<16x16xf32, #tpu.memory_space<vmem>>) attributes {dimension_semantics = [#tpu.dimension_semantics<arbitrary>], iteration_bounds = array<i64: 5>, scalar_prefetch = 0 : i64, scratch_operands = 1 : i64, tpu.core_type = #tpu.core_type<tc>, window_params = [{transform_indices = @transform_0, window_bounds = array<i64: 2000, 16>}, {transform_indices = @transform_1, window_bounds = array<i64: 2000, 16>}, {transform_indices = @transform_2, window_bounds = array<i64: 2000, 16>}, {transform_indices = @transform_3, window_bounds = array<i64: 2000, 16>}, {transform_indices = @transform_4, window_bounds = array<i64: 2000, 16>}, {transform_indices = @transform_5, window_bounds = array<i64: 2000, 8>}, {transform_indices = @transform_6, window_bounds = array<i64: 2000, 16>}, {pipeline_mode = #tpu.pipeline_mode<synchronous>, transform_indices = @transform_7, window_bounds = array<i64: 16, 16>}]} {
    %get3A = arith.constant 0 : index
    %get3A_0 = arith.constant 0 : index
    %get3A_1 = vector.load %arg1[%get3A, %get3A_0] : memref<2000x16xf32, #tpu.memory_space<vmem>>, vector<2000x16xf32>
    %get3A_2 = arith.constant 0 : index
    %get3A_3 = arith.constant 0 : index
    %get3A_4 = vector.load %arg2[%get3A_2, %get3A_3] : memref<2000x16xf32, #tpu.memory_space<vmem>>, vector<2000x16xf32>
    %add3A = arith.addf %get3A_1, %get3A_4 : vector<2000x16xf32>
    %get3A_5 = arith.constant 0 : index
    %get3A_6 = arith.constant 0 : index
    %get3A_7 = vector.load %arg3[%get3A_5, %get3A_6] : memref<2000x16xf32, #tpu.memory_space<vmem>>, vector<2000x16xf32>
    %sub3A = arith.subf %add3A, %get3A_7 : vector<2000x16xf32>
    %get3A_8 = arith.constant 0 : index
    %get3A_9 = arith.constant 0 : index
    %get3A_10 = vector.load %arg4[%get3A_8, %get3A_9] : memref<2000x16xf32, #tpu.memory_space<vmem>>, vector<2000x16xf32>
    %sub3A_11 = arith.subf %sub3A, %get3A_10 : vector<2000x16xf32>
    %neg3A = arith.constant 0.000000e+00 : f32
    %neg3A_12 = vector.broadcast %neg3A : f32 to vector<2000x16xf32>
    %neg3A_13 = arith.subf %neg3A_12, %sub3A_11 : vector<2000x16xf32>
    %swap3A = arith.constant 0 : index
    %swap3A_14 = arith.constant 0 : index
    %swap3A_15 = vector.load %arg7[%swap3A, %swap3A_14] : memref<2000x16xf32, #tpu.memory_space<vmem>>, vector<2000x16xf32>
    tpu.vector_store %arg7[%swap3A, %swap3A_14], %neg3A_13 {strides = array<i32>} : memref<2000x16xf32, #tpu.memory_space<vmem>>, vector<2000x16xf32>,
    %get3A_16 = arith.constant 0 : index
    %get3A_17 = arith.constant 0 : index
    %get3A_18 = vector.load %arg6[%get3A_16, %get3A_17] : memref<2000x8xf32, #tpu.memory_space<vmem>>, vector<2000x8xf32>
    %get3A_19 = arith.constant 0 : index
    %get3A_20 = arith.constant 0 : index
    %get3A_21 = vector.load %arg5[%get3A_19, %get3A_20] : memref<2000x16xf32, #tpu.memory_space<vmem>>, vector<2000x16xf32>
    %slice3A = vector.extract_strided_slice %get3A_21 {offsets = [0, 0], sizes = [2000, 3], strides = [1, 1]} : vector<2000x16xf32> to vector<2000x3xf32>
    %slice3A_22 = vector.extract_strided_slice %get3A_18 {offsets = [0, 0], sizes = [2000, 1], strides = [1, 1]} : vector<2000x8xf32> to vector<2000x1xf32>
    %mul3A = vector.broadcast %slice3A_22 : vector<2000x1xf32> to vector<2000x3xf32>
    %mul3A_23 = arith.mulf %mul3A, %slice3A : vector<2000x3xf32>
    %slice3A_24 = vector.extract_strided_slice %get3A_18 {offsets = [0, 1], sizes = [2000, 1], strides = [1, 1]} : vector<2000x8xf32> to vector<2000x1xf32>
    %mul3A_25 = vector.broadcast %slice3A_24 : vector<2000x1xf32> to vector<2000x3xf32>
    %mul3A_26 = arith.mulf %mul3A_25, %slice3A : vector<2000x3xf32>
    %slice3A_27 = vector.extract_strided_slice %get3A_18 {offsets = [0, 2], sizes = [2000, 1], strides = [1, 1]} : vector<2000x8xf32> to vector<2000x1xf32>
    %mul3A_28 = vector.broadcast %slice3A_27 : vector<2000x1xf32> to vector<2000x3xf32>
    %mul3A_29 = arith.mulf %mul3A_28, %slice3A : vector<2000x3xf32>
    %broadcast_in_dim3A = arith.constant 0.000000e+00 : f32
    %broadcast_in_dim3A_30 = vector.broadcast %broadcast_in_dim3A : f32 to vector<2000x7xf32>
    %concatenate3A = tpu.concatenate %mul3A_23, %mul3A_26, %mul3A_29, %broadcast_in_dim3A_30 in 1 : vector<2000x3xf32>, vector<2000x3xf32>, vector<2000x3xf32>, vector<2000x7xf32> -> vector<2000x16xf32>
    %dot_general3A = arith.constant dense<0.000000e+00> : vector<16x16xf32>
    %dot_general3A_31 = tpu.matmul %concatenate3A, %sub3A_11, %dot_general3A {dimension_numbers = #tpu.dot_dimension_numbers<[0], [0], [1], [1], [0, 1, 1, 1], [], []>, precision = #tpu.contract_precision<fp32>, transpose_lhs_hint = false} : vector<2000x16xf32>, vector<2000x16xf32>, vector<16x16xf32> -> vector<16x16xf32>
    %eq3A = arith.constant 0 : i32
    %eq3A_32 = arith.cmpi eq, %arg0, %eq3A : i32
    %convert_element_type3A = arith.extui %eq3A_32 : i1 to i32
    %cond3A = arith.constant 0 : i32
    %cond3A_33 = arith.cmpi ne, %convert_element_type3A, %cond3A : i32
    scf.if %cond3A_33 {
      %broadcast_in_dim3A_47 = arith.constant 0.000000e+00 : f32
      %broadcast_in_dim3A_48 = vector.broadcast %broadcast_in_dim3A_47 : f32 to vector<16x16xf32>
      %swap3A_49 = arith.constant 0 : index
      %swap3A_50 = arith.constant 0 : index
      %swap3A_51 = vector.load %arg9[%swap3A_49, %swap3A_50] : memref<16x16xf32, #tpu.memory_space<vmem>>, vector<16x16xf32>
      tpu.vector_store %arg9[%swap3A_49, %swap3A_50], %broadcast_in_dim3A_48 {strides = array<i32>} : memref<16x16xf32, #tpu.memory_space<vmem>>, vector<16x16xf32>,
    } else {
    }
    %get3A_34 = arith.constant 0 : index
    %get3A_35 = arith.constant 0 : index
    %get3A_36 = vector.load %arg9[%get3A_34, %get3A_35] : memref<16x16xf32, #tpu.memory_space<vmem>>, vector<16x16xf32>
    %add3A_37 = arith.addf %get3A_36, %dot_general3A_31 : vector<16x16xf32>
    %swap3A_38 = arith.constant 0 : index
    %swap3A_39 = arith.constant 0 : index
    %swap3A_40 = vector.load %arg9[%swap3A_38, %swap3A_39] : memref<16x16xf32, #tpu.memory_space<vmem>>, vector<16x16xf32>
    tpu.vector_store %arg9[%swap3A_38, %swap3A_39], %add3A_37 {strides = array<i32>} : memref<16x16xf32, #tpu.memory_space<vmem>>, vector<16x16xf32>,
    %get3A_41 = arith.constant 0 : index
    %get3A_42 = arith.constant 0 : index
    %get3A_43 = vector.load %arg9[%get3A_41, %get3A_42] : memref<16x16xf32, #tpu.memory_space<vmem>>, vector<16x16xf32>
    %swap3A_44 = arith.constant 0 : index
    %swap3A_45 = arith.constant 0 : index
    %swap3A_46 = vector.load %arg8[%swap3A_44, %swap3A_45] : memref<16x16xf32, #tpu.memory_space<vmem>>, vector<16x16xf32>
    tpu.vector_store %arg8[%swap3A_44, %swap3A_45], %get3A_43 {strides = array<i32>} : memref<16x16xf32, #tpu.memory_space<vmem>>, vector<16x16xf32>,
    return
  }
  func.func @transform_0(%arg0: i32) -> (i32, i32) {
    %c0_i32 = arith.constant 0 : i32
    %c0_i32_0 = arith.constant 0 : i32
    return %arg0, %c0_i32 : i32, i32
  }
  func.func @transform_1(%arg0: i32) -> (i32, i32) {
    %c0_i32 = arith.constant 0 : i32
    %c0_i32_0 = arith.constant 0 : i32
    return %arg0, %c0_i32 : i32, i32
  }
  func.func @transform_2(%arg0: i32) -> (i32, i32) {
    %c0_i32 = arith.constant 0 : i32
    %c0_i32_0 = arith.constant 0 : i32
    return %arg0, %c0_i32 : i32, i32
  }
  func.func @transform_3(%arg0: i32) -> (i32, i32) {
    %c0_i32 = arith.constant 0 : i32
    %c0_i32_0 = arith.constant 0 : i32
    return %arg0, %c0_i32 : i32, i32
  }
  func.func @transform_4(%arg0: i32) -> (i32, i32) {
    %c0_i32 = arith.constant 0 : i32
    %c0_i32_0 = arith.constant 0 : i32
    return %arg0, %c0_i32 : i32, i32
  }
  func.func @transform_5(%arg0: i32) -> (i32, i32) {
    %c0_i32 = arith.constant 0 : i32
    %c0_i32_0 = arith.constant 0 : i32
    return %arg0, %c0_i32 : i32, i32
  }
  func.func @transform_6(%arg0: i32) -> (i32, i32) {
    %c0_i32 = arith.constant 0 : i32
    %c0_i32_0 = arith.constant 0 : i32
    return %arg0, %c0_i32 : i32, i32
  }
  func.func @transform_7(%arg0: i32) -> (i32, i32) {
    %c0_i32 = arith.constant 0 : i32
    %c0_i32_0 = arith.constant 0 : i32
    %c0_i32_1 = arith.constant 0 : i32
    return %c0_i32, %c0_i32_0 : i32, i32
  }
}

</mosaic_0001>

<sc_bundles>
// kernel: kernel.10.cloned.1.call-start
scs
__scs_entry_jumppad:
0x0: {  	(pc) =	sbr.rel $0x88, $3  }
0x1: {  	(tag) =	ssettag $0x0;
	lr =	simm.s32 $0x1  }
0x2: {  	[smem:$0x3F94] =	sst lr;
	_ =	strace $0xD0000000  }
0x3: {  	_ = 	snop  }
0x4: {  	_ = 	snop  }
0x5: {  	_ = 	snop  }
0x6: {  	_ = 	snop  }
0x7: {  	_ = 	snop  }
__scs_overlays_trampoline_lowered:
0x8: {  	[smem:$0x3FA3] =	sst s0  }
0x9: {  	[smem:$0x3FA4] =	sst s1  }
0xa: {  	[smem:$0x3FA5] =	sst s2  }
0xb: {  	[smem:$0x3FA6] =	sst s3  }
0xc: {  	[smem:$0x3FA7] =	sst s4  }
0xd: {  	[smem:$0x3FA8] =	sst s5  }
0xe: {  	[smem:$0x3FA9] =	sst s6  }
0xf: {  	[smem:$0x3FAA] =	sst s7  }
0x10: {  	[smem:$0x3FAB] =	sst s8  }
0x11: {  	[smem:$0x3FAC] =	sst s9;
	s0 =	simm.s32 @!p0 $0x0  }
0x12: {  	s1 =	sld [smem:$0x3F92];
	s0 =	simm.s32 @p0 $0x1  }
0x13: {  	[smem:$0x3FAD] =	sst s0;
	s0 =	simm.s32 @!p1 $0x0  }
0x14: {  	s2 =	sld [smem:$0x3F91];
	s0 =	simm.s32 @p1 $0x1  }
0x15: {  	[smem:$0x3FAE] =	sst s0;
	s0 =	simm.s32 @!p2 $0x0  }
0x16: {  	s3 =	sld [smem:$0x3FDB];
	s0 =	simm.s32 @p2 $0x1  }
0x17: {  	s4 =	simm.s32 $0x1BF5;
	[smem:$0x3FB0] =	sst s0  }
0x18: {  	s0 =	sld [smem:$0x3F93];
	_ =	swait.ge [sflag:s4], $0x0  }
0x19: {  	s7 =	sld [smem:$0x3F94]  }
0x1a: {  	s8 =	sadd.s32 $0xFFFFE003, lr  }
0x1b: {  	s9 =	sadd.s32 $0xFFFFFEF7, lr;
	s5 =	simm.s32 $0xFFFFFFFF;
	p2 =	slt.u32 s8, $0xFFFFF086  }
0x1c: {  	p1 =	slt.u32 s9, $0xF7A;
	s5 =	simm.s32 @!p2 $0x0  }
0x1d: {  	s5 =	simm.s32 @p1 $0x1;
	p0 =	seq.s32 s7, s2  }
0x1e: {  	s7 =	smul.u32 @!p0 $0xF7A, s2;
	p2 =	seq.s32 @!p0 s5, $0x0  }
0x1f: {  	s9 =	smul.u32 $0xF7A, s1;
	s8 =	simm.s32 @!p0 $0x1BF5;
	p2 =	por !p2, p0  }
0x20: {  	[sflag:s8] =	ssyncset.s32 @!p0 $0xFFFFF086;
	s6 =	sadd.s32 @!p0 s3, s7;
	s7 =	simm.s32 @!p0 $0x108  }
0x21: {  	s3 =	sadd.s32 s3, s9;
	s6 =	sadd.s32 @!p0 $0x88, s6;
	s7 =	simm.s32 @p2 $0x1082  }
0x22: {  	[simem:s7], [sflag:s8] =	dma.local @!p0 [hbm:s6], $0xF7A  }
0x23: {  	s9 =	sor.u32 $0xD0000000, s2;
	s6 =	simm.s32 $0x108;
	_ =	swait.ge @!p0 [sflag:s8], $0x0  }
0x24: {  	s3 =	sadd.s32 $0x88, s3;
	s6 =	simm.s32 @!p1 $0x1082;
	[sflag:s4] =	ssyncset.s32 $0xFFFFF086  }
0x25: {  	[simem:s6], [sflag:s4] =	dma.local [hbm:s3], $0xF7A  }
0x26: {  	[smem:$0x3F94] =	sst s1;
	(tag) =	ssettag s2;
	_ =	strace s9  }
0x27: {  	s1 =	sld [smem:$0x3FA4]  }
0x28: {  	s2 =	sld [smem:$0x3FA5]  }
0x29: {  	s4 =	sld [smem:$0x3FA7]  }
0x2a: {  	p0 =	seq.s32 s5, $0x0;
	s5 =	sld [smem:$0x3FA8]  }
0x2b: {  	s6 =	sld [smem:$0x3FA9]  }
0x2c: {  	s7 =	sld [smem:$0x3FAA]  }
0x2d: {  	s3 =	simm.s32 $0x108;
	s8 =	sld [smem:$0x3FAB]  }
0x2e: {  	s3 =	simm.s32 @!p0 $0x1082;
	s9 =	sld [smem:$0x3FAC]  }
0x2f: {  	lr =	sadd.s32 s0, s3;
	s0 =	sld [smem:$0x3FA3]  }
0x30: {  	s3 =	sld [smem:$0x3FA6]  }
0x31: {  	[smem:$0x3FAF] =	sst s10  }
0x32: {  	s10 =	sld [smem:$0x3FAD];
	_ =	sdelay $0x3  }
0x33: {  	p0 =	seq.s32 s10, $0x1;
	s10 =	sld [smem:$0x3FAF];
	_ =	sdelay $0x3  }
0x34: {  	[smem:$0x3FAF] =	sst s10  }
0x35: {  	s10 =	sld [smem:$0x3FAE];
	_ =	sdelay $0x3  }
0x36: {  	p1 =	seq.s32 s10, $0x1;
	s10 =	sld [smem:$0x3FAF];
	_ =	sdelay $0x3  }
0x37: {  	[smem:$0x3FAF] =	sst s10  }
0x38: {  	s10 =	sld [smem:$0x3FB0]  }
0x39: {  	_ = 	snop;
	(pc) =	sbr.ind lr, $3  }
0x3a: {  	_ = 	snop  }
0x3b: {  	_ = 	snop  }
0x3c: {  	p2 =	seq.s32 s10, $0x1;
	s10 =	sld [smem:$0x3FAF]  }
0x3d: {  	_ =	shalt  }
0x3e: {  	_ =	shalt  }
0x3f: {  	_ =	shalt  }
0x40: {  	_ =	shalt  }
0x41: {  	_ =	shalt  }
0x42: {  	_ =	shalt  }
0x43: {  	_ =	shalt  }
0x44: {  	_ =	shalt  }
0x45: {  	_ =	shalt  }
0x46: {  	_ =	shalt  }
0x47: {  	_ =	shalt  }
0x48: {  	_ =	shalt  }
0x49: {  	_ =	shalt  }
0x4a: {  	_ =	shalt  }
0x4b: {  	_ =	shalt  }
0x4c: {  	_ =	shalt  }
0x4d: {  	_ =	shalt  }
0x4e: {  	_ =	shalt  }
0x4f: {  	_ =	shalt  }
0x50: {  	_ =	shalt  }
0x51: {  	_ =	shalt  }
0x52: {  	_ =	shalt  }
0x53: {  	_ =	shalt  }
0x54: {  	_ =	shalt  }
0x55: {  	_ =	shalt  }
0x56: {  	_ =	shalt  }
0x57: {  	_ =	shalt  }
0x58: {  	_ =	shalt  }
0x59: {  	_ =	shalt  }
0x5a: {  	_ =	shalt  }
0x5b: {  	_ =	shalt  }
0x5c: {  	_ =	shalt  }
0x5d: {  	_ =	shalt  }
0x5e: {  	_ =	shalt  }
0x5f: {  	_ =	shalt  }
0x60: {  	_ =	shalt  }
0x61: {  	_ =	shalt  }
0x62: {  	_ =	shalt  }
0x63: {  	_ =	shalt  }
0x64: {  	_ =	shalt  }
0x65: {  	_ =	shalt  }
0x66: {  	_ =	shalt  }
0x67: {  	_ =	shalt  }
0x68: {  	_ =	shalt  }
0x69: {  	_ =	shalt  }
0x6a: {  	_ =	shalt  }
0x6b: {  	_ =	shalt  }
0x6c: {  	_ =	shalt  }
0x6d: {  	_ =	shalt  }
0x6e: {  	_ =	shalt  }
0x6f: {  	_ =	shalt  }
0x70: {  	_ =	shalt  }
0x71: {  	_ =	shalt  }
0x72: {  	_ =	shalt  }
0x73: {  	_ =	shalt  }
0x74: {  	_ =	shalt  }
0x75: {  	_ =	shalt  }
0x76: {  	_ =	shalt  }
0x77: {  	_ =	shalt  }
0x78: {  	_ =	shalt  }
0x79: {  	_ =	shalt  }
0x7a: {  	_ =	shalt  }
0x7b: {  	_ =	shalt  }
0x7c: {  	_ =	shalt  }
0x7d: {  	_ =	shalt  }
0x7e: {  	_ =	shalt  }
0x7f: {  	_ =	shalt  }
0x80: {  	_ =	shalt  }
0x81: {  	_ =	shalt  }
0x82: {  	_ =	shalt  }
0x83: {  	_ =	shalt  }
0x84: {  	_ =	shalt  }
0x85: {  	_ =	shalt  }
0x86: {  	_ =	shalt  }
0x87: {  	_ =	shalt  }
.Lfunc_end0:
.L_simem_size_0:
called_computation_lowered:
.L_overlay_start_0:
0x88: {  	s2 =	sld [smem:$0x3FD9]  }
0x89: {  	s3 =	sld [smem:$0x3FFE];
	_ =	sdelay $0x1  }
0x8a: {  	s1 =	srdreg.scid  }
0x8b: {  	s0 =	sand.u32 $0x1, s1  }
0x8c: {  	s16 =	sshll.u32 s0, $0xA;
	s2 =	sadd.s32 s3, s2  }
0x8d: {  	s2 =	sadd.s32 s2, s16  }
0x8e: {  	[smem:$0x3FBB] =	sst s2  }
0x8f: {  	_ = 	snop  }
0x90: {  	(tm) =	ssettm $0x1  }
0x91: {  	s17 =	sld [smem:$0x3FFB];
	_ =	sdelay $0x3  }
0x92: {  	_ =	strace s17  }
0x93: {  	s2 =	sld [smem:$0x3FFC];
	_ =	sdelay $0x3  }
0x94: {  	_ =	strace s2  }
0x95: {  	s2 =	sld [smem:$0x3FFD];
	_ =	sdelay $0x3  }
0x96: {  	_ =	strace s2  }
0x97: {  	_ =	strace $0x8FFFFFFF  }
0x98: {  	s18 =	sld [smem:$0x3FDB];
	_ =	sdelay $0x1  }
0x99: {  	s19 =	simm.s32 $_scs_section_size  }
0x9a: {  	s4 =	simm.s32 $_size__tile_overlayer_lowered;
	s5 =	simm.s32 $_tile_overlayer_lowered  }
0x9b: {  	s22 =	simm.s32 $0x1BFF;
	s21 =	sshll.u32 s5, $0x1;
	s2 =	sadd.s32 s19, s18  }
0x9c: {  	s6 =	simm.s32 $0x0;
	s20 =	sshll.u32 s4, $0x1;
	s4 =	sadd.s32 s21, s2  }
0x9d: {  	[timem:s6], [sflag:s22] =	dma.local [hbm:s4], s20  }
0x9e: {  	_ =	swait.ge [sflag:s22], s20  }
0x9f: {  	s3 =	ssub.s32 $0x0, s20;
	[sflag:s22] =	ssyncset.done $0x0  }
0xa0: {  	[sflag:s22] =	ssyncadd.s32 s3;
	_ =	sdelay $0x1  }
0xa1: {  	s23 =	simm.s32 $0x1B8B  }
0xa2: {  	_ =	swait.ge [sflag:s23], $0x1  }
0xa3: {  	[sflag:s23] =	ssyncset.done $0x0  }
0xa4: {  	s25 =	simm.s32 $0x1B8E;
	s24 =	sld [smem:$0x3FFE];
	[sflag:s23] =	ssyncadd.s32 $0xFFFFFFFF  }
0xa5: {  	s26 =	simm.s32 $execute0_lowered;
	[smem:$0x3FD2] =	sst s25  }
0xa6: {  	s4 =	sshll.u32 s26, $0x1;
	_ =	strace $0x80000046;
	[dreg:$0x1] =	wrdreg $0xFFFFFFFF  }
0xa7: {  	s28 =	simm.s32 $_size_execute0_lowered;
	s2 =	sadd.s32 s2, s4;
	[dreg:$0x0] =	wrdreg $0x0  }
0xa8: {  	s4 =	sshll.u32 s28, $0x1;
	[dreg:$0x2] =	wrdreg s2  }
0xa9: {  	[dreg:$0x3] =	wrdreg s4  }
0xaa: {  	[dreg:$0x4] =	wrdreg $0xC0  }
0xab: {  	_ =	task [dreg:s6], $0x5FFFF  }
0xac: {  	[dreg:$0x1] =	wrdreg $0xFFFFFFFF  }
0xad: {  	[dreg:$0x0] =	wrdreg $0x60  }
0xae: {  	[dreg:$0x2] =	wrdreg s24  }
0xaf: {  	[dreg:$0x3] =	wrdreg $0x9  }
0xb0: {  	_ =	task.clear_ibuf [dreg:s6], $0x4FFFF;
	_ =	strace $0x90000046  }
0xb1: {  	s29 =	simm.s32 $0x9;
	_ =	strace $0x80000048  }
0xb2: {  	_ =	swait.ge [sflag:s29], $0x1  }
0xb3: {  	[sflag:s29] =	ssyncadd.s32 $0xFFFFFFFF  }
0xb4: {  	_ =	strace $0x90000048  }
0xb5: {  	_ =	sfence  }
0xb6: {  	s30 =	sld [smem:$0x0];
	_ =	sdelay $0x2  }
0xb7: {  	s31 =	sshll.u32 s1, $0xD;
	s1 =	sshrl.u32 s1, $0x2  }
0xb8: {  	s3 =	sand.u32 $0x4000, s31;
	s1 =	sadd.s32 s1, s30  }
0xb9: {  	s0 =	sor.u32 s3, s0;
	s1 =	sshll.u32 s1, $0x11  }
0xba: {  	s0 =	sor.u32 s1, s0  }
0xbb: {  	s0 =	sadd.s32 $0x8F2B, s0  }
0xbc: {  	[sflag:s0] =	ssyncadd.remote.s32 $0x1  }
0xbd: {  	_ =	sfence.sel $0xFFFF  }
0xbe: {  	[dreg:$0x0] =	wrdreg $0xFFFFFFFF;
	(pc) =	sbr.abs _section_cstart, $3  }
0xbf: {  	[dreg:$0x1] =	wrdreg $0xFFFFFFFF  }
0xc0: {  	_ =	task.clear_ibuf [dreg:s6], $0x2FFFF;
	_ =	strace $0x9FFFFFFF  }
0xc1: {  	(tm) =	ssettm $0x7FFFFFFF  }
tec
execute0_lowered:
.L_overlay_start_1:
0x0: {  	(tag) =	ssettag $0x1  }
0x1: {  	s1 =	srdreg.scid  }
0x2: {  	s0 =	stileid.u32;
	s4 =	rddreg [dreg:$0x0];
	s2 =	simm.s32 $0x0  }
0x3: {  	s10 =	simm.s32 $0x80;
	s3 =	sand.u32 $0x1, s1;
	s5 =	sshll.u32 s0, $0x1  }
0x4: {  	s11 =	simm.s32 $0x1;
	s12 =	simm.s32 $0x1400;
	s5 =	sor.u32 s3, s5  }
0x5: {  	s13 =	simm.s32 $0x0;
	s1 =	rddreg [dreg:$0x1];
	s6 =	smul.u32 $0x280, s5  }
0x6: {  	[smem:$0x7FF] =	sst s2;
	s7 =	ssub.s32 $0x2, s3;
	s5 =	smul.u32 $0x2800, s5  }
0x7: {  	_ =	strace $0x80000047;
	s3 =	sadd.s32 $0x2BA00, s4;
	s8 =	sshrl.u32 s7, $0x1  }
0x8: {  	s8 =	ssub.s32 s7, s8;
	s6 =	sadd.s32 s6, s4;
	s9 =	sadd.s32 s5, s4  }
0x9: {  	s8 =	smax.u32 s8, $0x1;
	s4 =	sadd.s32 $0x35A00, s6;
	s5 =	sadd.s32 $0x3AA00, s9  }
0xa: {  	s6 =	sadd.s32 $0x30A00, s6;
	s7 =	sadd.s32 $0x8AA00, s9;
	s9 =	simm.s32 $0x2  }
.LBB2_1:
0xb: {  	[tilespmem:s2], [sflag:$0x2] =	stream.linear.gather [hbm4b:s4+s2], $0x1400, $0x38;
	[tilespmem:$0x15400] =	vst v63  }
0xc: {  	_ =	swait.ge [sflag:s9], $0x1400  }
0xd: {  	s14 =	simm.s32 $0x200;
	s17 =	simm.s32 $0x0;
	[sflag:s9] =	ssyncset.done $0x0  }
0xe: {  	s15 =	simm.s32 $0x1C00;
	s16 =	simm.s32 $0x1400;
	[sflag:s9] =	ssyncadd.s32 $0xFFFFEC00  }
.LBB2_2:
0xf: {  	[tilespmem:s16], [sflag:$0x1] =	stream.indirect.gather [hbm4b:s3+s10], $0x10, s17, s10, $0xb8;
	[tilespmem:$0x15400] =	vst v63  }
0x10: {  	s17 =	smov.u32 s14;
	s16 =	smov.u32 s15;
	p0 =	sne.s32 s14, $0x4E00  }
.Ltmp0:
0x11: {  	s14 =	sadd.s32 $0x200, s14;
	(pc) =	sbr.rel @p0 .LBB2_2-.Ltmp0, $2  }
0x12: {  	_ =	sdelay $0x2  }
0x13: {  	s15 =	sadd.s32 $0x800, s15;
	s17 =	sshra.s32 s17, $0x2  }
0x14: {  	[tilespmem:s16], [sflag:$0x1] =	stream.indirect.gather [hbm4b:s3+s10], $0x10, s17, s10, $0xb8;
	[tilespmem:$0x15400] =	vst v63  }
0x15: {  	_ =	swait.ge [sflag:s11], $0x14000  }
0x16: {  	[sflag:s11] =	ssyncset.done $0x0  }
0x17: {  	s15 =	simm.s32 $0x0;
	s14 =	simm.s32 $0x1400;
	[sflag:s11] =	ssyncadd.s32 $0xFFFEC000  }
0x18: {  	[hbm4b:s5+s15] =	stream.linear.scatter [tilespmem:s14], [sflag:$0x2], $0x14000, $0x38;
	[tilespmem:$0x15400] =	vst v63  }
0x19: {  	_ =	swait.ge [sflag:s9], $0x14000  }
0x1a: {  	[sflag:s9] =	ssyncset.done $0x0  }
0x1b: {  	[sflag:s9] =	ssyncadd.s32 $0xFFFEC000  }
0x1c: {  	[tilespmem:s15], [sflag:$0x2] =	stream.linear.gather [hbm4b:s6+s15], $0x1400, $0x38;
	[tilespmem:$0x15400] =	vst v63  }
0x1d: {  	_ =	swait.ge [sflag:s9], $0x1400  }
0x1e: {  	s17 =	simm.s32 $0x0;
	[sflag:s9] =	ssyncset.done $0x0  }
0x1f: {  	s16 =	simm.s32 $0x1C00;
	s15 =	simm.s32 $0x200;
	[sflag:s9] =	ssyncadd.s32 $0xFFFFEC00  }
.LBB2_4:
0x20: {  	[tilespmem:s14], [sflag:$0x1] =	stream.indirect.gather [hbm4b:s3+s10], $0x10, s17, s10, $0xb8;
	[tilespmem:$0x15400] =	vst v63  }
0x21: {  	s17 =	smov.u32 s15;
	s14 =	smov.u32 s16;
	p0 =	sne.s32 s15, $0x4E00  }
.Ltmp1:
0x22: {  	s15 =	sadd.s32 $0x200, s15;
	(pc) =	sbr.rel @p0 .LBB2_4-.Ltmp1, $2  }
0x23: {  	_ =	sdelay $0x2  }
0x24: {  	s16 =	sadd.s32 $0x800, s16;
	s17 =	sshra.s32 s17, $0x2  }
0x25: {  	[tilespmem:s14], [sflag:$0x1] =	stream.indirect.gather [hbm4b:s3+s10], $0x10, s17, s10, $0xb8;
	[tilespmem:$0x15400] =	vst v63  }
0x26: {  	s13 =	sadd.s32 $0x1, s13;
	_ =	swait.ge [sflag:s11], $0x14000  }
0x27: {  	p0 =	sne.s32 s13, s8;
	[sflag:s11] =	ssyncset.done $0x0  }
.Ltmp2:
0x28: {  	[sflag:s11] =	ssyncadd.s32 $0xFFFEC000;
	(pc) =	sbr.rel @p0 .LBB2_1-.Ltmp2, $4  }
0x29: {  	[hbm4b:s7+s2] =	stream.linear.scatter [tilespmem:s12], [sflag:$0x2], $0x14000, $0x38;
	[tilespmem:$0x15400] =	vst v63  }
0x2a: {  	_ =	swait.ge [sflag:s9], $0x14000  }
0x2b: {  	[sflag:s9] =	ssyncset.done $0x0  }
0x2c: {  	[sflag:s9] =	ssyncadd.s32 $0xFFFEC000  }
0x2d: {  	_ =	sfence.sel $0x180000  }
0x2e: {  	[bflag:$0x0] =	sbarrier.arrive $0xFFFF  }
0x2f: {  	p0 =	sne.s32 s0, $0x0;
	_ =	strace $0x90000047  }
0x30: {  	s0 =	sadd.s32 @!p0 $0x100000, s1;
	[bflag:$0x2] =	sbarrier.arrive $0xFFFF  }
0x31: {  	[sflag:s0] =	ssyncadd.tile.s32 @!p0 $0x1;
	_ =	shalt  }
.Lfunc_end2:
_tile_overlayer_lowered:
.L_overlay_start_2:
0x32: {  	(tag) =	ssettag $0x2  }
0x33: {  	s0 =	rddreg [dreg:$0x0];
	s2 =	stileid.u32  }
0x34: {  	s1 =	rddreg [dreg:$0x1];
	p0 =	sne.s32 s2, $0x0  }
0x35: {  	s3 =	rddreg [dreg:$0x2];
	[bflag:$0x3] =	sbarrier.arrive $0xFFFF;
	s2 =	simm.s32 @!p0 $0x1C02  }
0x36: {  	[timem:s3], [sflag:s2] =	dma.local @!p0 [hbm:s0], s1  }
0x37: {  	s0 =	simm.s32 @!p0 $0x2  }
0x38: {  	_ =	swait.ge @!p0 [sflag:s0], s1  }
0x39: {  	s1 =	ssub.s32 @!p0 $0x0, s1;
	[sflag:s0] =	ssyncset.done @!p0 $0x0  }
0x3a: {  	[sflag:s0] =	ssyncadd.s32 @!p0 s1  }
0x3b: {  	[bflag:$0x3] =	sbarrier.arrive $0xFFFF  }
0x3c: {  	_ =	shalt  }

// kernel: kernel.13.cloned.1.call-start
scs
__scs_entry_jumppad:
0x0: {  	(pc) =	sbr.rel $0x88, $3  }
0x1: {  	(tag) =	ssettag $0x0;
	lr =	simm.s32 $0x1  }
0x2: {  	[smem:$0x3F94] =	sst lr;
	_ =	strace $0xD0000000  }
0x3: {  	_ = 	snop  }
0x4: {  	_ = 	snop  }
0x5: {  	_ = 	snop  }
0x6: {  	_ = 	snop  }
0x7: {  	_ = 	snop  }
__scs_overlays_trampoline_lowered:
0x8: {  	[smem:$0x3FA3] =	sst s0  }
0x9: {  	[smem:$0x3FA4] =	sst s1  }
0xa: {  	[smem:$0x3FA5] =	sst s2  }
0xb: {  	[smem:$0x3FA6] =	sst s3  }
0xc: {  	[smem:$0x3FA7] =	sst s4  }
0xd: {  	[smem:$0x3FA8] =	sst s5  }
0xe: {  	[smem:$0x3FA9] =	sst s6  }
0xf: {  	[smem:$0x3FAA] =	sst s7  }
0x10: {  	[smem:$0x3FAB] =	sst s8  }
0x11: {  	[smem:$0x3FAC] =	sst s9;
	s0 =	simm.s32 @!p0 $0x0  }
0x12: {  	s1 =	sld [smem:$0x3F92];
	s0 =	simm.s32 @p0 $0x1  }
0x13: {  	[smem:$0x3FAD] =	sst s0;
	s0 =	simm.s32 @!p1 $0x0  }
0x14: {  	s2 =	sld [smem:$0x3F91];
	s0 =	simm.s32 @p1 $0x1  }
0x15: {  	[smem:$0x3FAE] =	sst s0;
	s0 =	simm.s32 @!p2 $0x0  }
0x16: {  	s3 =	sld [smem:$0x3FDB];
	s0 =	simm.s32 @p2 $0x1  }
0x17: {  	s4 =	simm.s32 $0x1BF5;
	[smem:$0x3FB0] =	sst s0  }
0x18: {  	s0 =	sld [smem:$0x3F93];
	_ =	swait.ge [sflag:s4], $0x0  }
0x19: {  	s7 =	sld [smem:$0x3F94]  }
0x1a: {  	s8 =	sadd.s32 $0xFFFFE003, lr  }
0x1b: {  	s9 =	sadd.s32 $0xFFFFFEF7, lr;
	s5 =	simm.s32 $0xFFFFFFFF;
	p2 =	slt.u32 s8, $0xFFFFF086  }
0x1c: {  	p1 =	slt.u32 s9, $0xF7A;
	s5 =	simm.s32 @!p2 $0x0  }
0x1d: {  	s5 =	simm.s32 @p1 $0x1;
	p0 =	seq.s32 s7, s2  }
0x1e: {  	s7 =	smul.u32 @!p0 $0xF7A, s2;
	p2 =	seq.s32 @!p0 s5, $0x0  }
0x1f: {  	s9 =	smul.u32 $0xF7A, s1;
	s8 =	simm.s32 @!p0 $0x1BF5;
	p2 =	por !p2, p0  }
0x20: {  	[sflag:s8] =	ssyncset.s32 @!p0 $0xFFFFF086;
	s6 =	sadd.s32 @!p0 s3, s7;
	s7 =	simm.s32 @!p0 $0x108  }
0x21: {  	s3 =	sadd.s32 s3, s9;
	s6 =	sadd.s32 @!p0 $0x88, s6;
	s7 =	simm.s32 @p2 $0x1082  }
0x22: {  	[simem:s7], [sflag:s8] =	dma.local @!p0 [hbm:s6], $0xF7A  }
0x23: {  	s9 =	sor.u32 $0xD0000000, s2;
	s6 =	simm.s32 $0x108;
	_ =	swait.ge @!p0 [sflag:s8], $0x0  }
0x24: {  	s3 =	sadd.s32 $0x88, s3;
	s6 =	simm.s32 @!p1 $0x1082;
	[sflag:s4] =	ssyncset.s32 $0xFFFFF086  }
0x25: {  	[simem:s6], [sflag:s4] =	dma.local [hbm:s3], $0xF7A  }
0x26: {  	[smem:$0x3F94] =	sst s1;
	(tag) =	ssettag s2;
	_ =	strace s9  }
0x27: {  	s1 =	sld [smem:$0x3FA4]  }
0x28: {  	s2 =	sld [smem:$0x3FA5]  }
0x29: {  	s4 =	sld [smem:$0x3FA7]  }
0x2a: {  	p0 =	seq.s32 s5, $0x0;
	s5 =	sld [smem:$0x3FA8]  }
0x2b: {  	s6 =	sld [smem:$0x3FA9]  }
0x2c: {  	s7 =	sld [smem:$0x3FAA]  }
0x2d: {  	s3 =	simm.s32 $0x108;
	s8 =	sld [smem:$0x3FAB]  }
0x2e: {  	s3 =	simm.s32 @!p0 $0x1082;
	s9 =	sld [smem:$0x3FAC]  }
0x2f: {  	lr =	sadd.s32 s0, s3;
	s0 =	sld [smem:$0x3FA3]  }
0x30: {  	s3 =	sld [smem:$0x3FA6]  }
0x31: {  	[smem:$0x3FAF] =	sst s10  }
0x32: {  	s10 =	sld [smem:$0x3FAD];
	_ =	sdelay $0x3  }
0x33: {  	p0 =	seq.s32 s10, $0x1;
	s10 =	sld [smem:$0x3FAF];
	_ =	sdelay $0x3  }
0x34: {  	[smem:$0x3FAF] =	sst s10  }
0x35: {  	s10 =	sld [smem:$0x3FAE];
	_ =	sdelay $0x3  }
0x36: {  	p1 =	seq.s32 s10, $0x1;
	s10 =	sld [smem:$0x3FAF];
	_ =	sdelay $0x3  }
0x37: {  	[smem:$0x3FAF] =	sst s10  }
0x38: {  	s10 =	sld [smem:$0x3FB0]  }
0x39: {  	_ = 	snop;
	(pc) =	sbr.ind lr, $3  }
0x3a: {  	_ = 	snop  }
0x3b: {  	_ = 	snop  }
0x3c: {  	p2 =	seq.s32 s10, $0x1;
	s10 =	sld [smem:$0x3FAF]  }
0x3d: {  	_ =	shalt  }
0x3e: {  	_ =	shalt  }
0x3f: {  	_ =	shalt  }
0x40: {  	_ =	shalt  }
0x41: {  	_ =	shalt  }
0x42: {  	_ =	shalt  }
0x43: {  	_ =	shalt  }
0x44: {  	_ =	shalt  }
0x45: {  	_ =	shalt  }
0x46: {  	_ =	shalt  }
0x47: {  	_ =	shalt  }
0x48: {  	_ =	shalt  }
0x49: {  	_ =	shalt  }
0x4a: {  	_ =	shalt  }
0x4b: {  	_ =	shalt  }
0x4c: {  	_ =	shalt  }
0x4d: {  	_ =	shalt  }
0x4e: {  	_ =	shalt  }
0x4f: {  	_ =	shalt  }
0x50: {  	_ =	shalt  }
0x51: {  	_ =	shalt  }
0x52: {  	_ =	shalt  }
0x53: {  	_ =	shalt  }
0x54: {  	_ =	shalt  }
0x55: {  	_ =	shalt  }
0x56: {  	_ =	shalt  }
0x57: {  	_ =	shalt  }
0x58: {  	_ =	shalt  }
0x59: {  	_ =	shalt  }
0x5a: {  	_ =	shalt  }
0x5b: {  	_ =	shalt  }
0x5c: {  	_ =	shalt  }
0x5d: {  	_ =	shalt  }
0x5e: {  	_ =	shalt  }
0x5f: {  	_ =	shalt  }
0x60: {  	_ =	shalt  }
0x61: {  	_ =	shalt  }
0x62: {  	_ =	shalt  }
0x63: {  	_ =	shalt  }
0x64: {  	_ =	shalt  }
0x65: {  	_ =	shalt  }
0x66: {  	_ =	shalt  }
0x67: {  	_ =	shalt  }
0x68: {  	_ =	shalt  }
0x69: {  	_ =	shalt  }
0x6a: {  	_ =	shalt  }
0x6b: {  	_ =	shalt  }
0x6c: {  	_ =	shalt  }
0x6d: {  	_ =	shalt  }
0x6e: {  	_ =	shalt  }
0x6f: {  	_ =	shalt  }
0x70: {  	_ =	shalt  }
0x71: {  	_ =	shalt  }
0x72: {  	_ =	shalt  }
0x73: {  	_ =	shalt  }
0x74: {  	_ =	shalt  }
0x75: {  	_ =	shalt  }
0x76: {  	_ =	shalt  }
0x77: {  	_ =	shalt  }
0x78: {  	_ =	shalt  }
0x79: {  	_ =	shalt  }
0x7a: {  	_ =	shalt  }
0x7b: {  	_ =	shalt  }
0x7c: {  	_ =	shalt  }
0x7d: {  	_ =	shalt  }
0x7e: {  	_ =	shalt  }
0x7f: {  	_ =	shalt  }
0x80: {  	_ =	shalt  }
0x81: {  	_ =	shalt  }
0x82: {  	_ =	shalt  }
0x83: {  	_ =	shalt  }
0x84: {  	_ =	shalt  }
0x85: {  	_ =	shalt  }
0x86: {  	_ =	shalt  }
0x87: {  	_ =	shalt  }
.Lfunc_end0:
.L_simem_size_0:
called_computation.1_lowered:
.L_overlay_start_0:
0x88: {  	s2 =	sld [smem:$0x3FD9]  }
0x89: {  	s3 =	sld [smem:$0x3FFE];
	_ =	sdelay $0x1  }
0x8a: {  	s1 =	srdreg.scid  }
0x8b: {  	s0 =	sand.u32 $0x1, s1  }
0x8c: {  	s16 =	sshll.u32 s0, $0xA;
	s2 =	sadd.s32 s3, s2  }
0x8d: {  	s2 =	sadd.s32 s2, s16  }
0x8e: {  	[smem:$0x3FBB] =	sst s2  }
0x8f: {  	_ = 	snop  }
0x90: {  	(tm) =	ssettm $0x1  }
0x91: {  	s17 =	sld [smem:$0x3FFB];
	_ =	sdelay $0x3  }
0x92: {  	_ =	strace s17  }
0x93: {  	s2 =	sld [smem:$0x3FFC];
	_ =	sdelay $0x3  }
0x94: {  	_ =	strace s2  }
0x95: {  	s2 =	sld [smem:$0x3FFD];
	_ =	sdelay $0x3  }
0x96: {  	_ =	strace s2  }
0x97: {  	_ =	strace $0x8FFFFFFF  }
0x98: {  	s18 =	sld [smem:$0x3FDB];
	_ =	sdelay $0x1  }
0x99: {  	s19 =	simm.s32 $_scs_section_size  }
0x9a: {  	s4 =	simm.s32 $_size__tile_overlayer_lowered;
	s5 =	simm.s32 $_tile_overlayer_lowered  }
0x9b: {  	s22 =	simm.s32 $0x1BFF;
	s21 =	sshll.u32 s5, $0x1;
	s2 =	sadd.s32 s19, s18  }
0x9c: {  	s6 =	simm.s32 $0x0;
	s20 =	sshll.u32 s4, $0x1;
	s4 =	sadd.s32 s21, s2  }
0x9d: {  	[timem:s6], [sflag:s22] =	dma.local [hbm:s4], s20  }
0x9e: {  	_ =	swait.ge [sflag:s22], s20  }
0x9f: {  	s3 =	ssub.s32 $0x0, s20;
	[sflag:s22] =	ssyncset.done $0x0  }
0xa0: {  	[sflag:s22] =	ssyncadd.s32 s3;
	_ =	sdelay $0x1  }
0xa1: {  	s23 =	simm.s32 $0x1B8B  }
0xa2: {  	_ =	swait.ge [sflag:s23], $0x1  }
0xa3: {  	[sflag:s23] =	ssyncset.done $0x0  }
0xa4: {  	s25 =	simm.s32 $0x1B8E;
	s24 =	sld [smem:$0x3FFE];
	[sflag:s23] =	ssyncadd.s32 $0xFFFFFFFF  }
0xa5: {  	s26 =	simm.s32 $execute0_lowered;
	[smem:$0x3FD2] =	sst s25  }
0xa6: {  	s4 =	sshll.u32 s26, $0x1;
	_ =	strace $0x80000049;
	[dreg:$0x1] =	wrdreg $0xFFFFFFFF  }
0xa7: {  	s28 =	simm.s32 $_size_execute0_lowered;
	s2 =	sadd.s32 s2, s4;
	[dreg:$0x0] =	wrdreg $0x0  }
0xa8: {  	s4 =	sshll.u32 s28, $0x1;
	[dreg:$0x2] =	wrdreg s2  }
0xa9: {  	[dreg:$0x3] =	wrdreg s4  }
0xaa: {  	[dreg:$0x4] =	wrdreg $0xC0  }
0xab: {  	_ =	task [dreg:s6], $0x5FFFF  }
0xac: {  	[dreg:$0x1] =	wrdreg $0xFFFFFFFF  }
0xad: {  	[dreg:$0x0] =	wrdreg $0x60  }
0xae: {  	[dreg:$0x2] =	wrdreg s24  }
0xaf: {  	[dreg:$0x3] =	wrdreg $0x0  }
0xb0: {  	[dreg:$0x4] =	wrdreg $0x9  }
0xb1: {  	_ =	task.clear_ibuf [dreg:s6], $0x5FFFF;
	_ =	strace $0x90000049  }
0xb2: {  	s29 =	simm.s32 $0x9;
	_ =	strace $0x8000004B  }
0xb3: {  	_ =	swait.ge [sflag:s29], $0x1  }
0xb4: {  	[sflag:s29] =	ssyncadd.s32 $0xFFFFFFFF  }
0xb5: {  	_ =	strace $0x9000004B  }
0xb6: {  	_ =	sfence  }
0xb7: {  	s30 =	sld [smem:$0x0];
	_ =	sdelay $0x2  }
0xb8: {  	s31 =	sshll.u32 s1, $0xD;
	s1 =	sshrl.u32 s1, $0x2  }
0xb9: {  	s3 =	sand.u32 $0x4000, s31;
	s1 =	sadd.s32 s1, s30  }
0xba: {  	s0 =	sor.u32 s3, s0;
	s1 =	sshll.u32 s1, $0x11  }
0xbb: {  	s0 =	sor.u32 s1, s0  }
0xbc: {  	s0 =	sadd.s32 $0x8F2B, s0  }
0xbd: {  	[sflag:s0] =	ssyncadd.remote.s32 $0x1  }
0xbe: {  	_ =	sfence.sel $0xFFFF  }
0xbf: {  	[dreg:$0x0] =	wrdreg $0xFFFFFFFF;
	(pc) =	sbr.abs _section_cstart, $3  }
0xc0: {  	[dreg:$0x1] =	wrdreg $0xFFFFFFFF  }
0xc1: {  	_ =	task.clear_ibuf [dreg:s6], $0x2FFFF;
	_ =	strace $0x9FFFFFFF  }
0xc2: {  	(tm) =	ssettm $0x7FFFFFFF  }
0xc3: {  	_ =	shalt  }
tec
execute0_lowered:
.L_overlay_start_1:
0x0: {  	(tag) =	ssettag $0x1  }
0x1: {  	s1 =	srdreg.scid  }
0x2: {  	s0 =	stileid.u32;
	s5 =	rddreg [dreg:$0x0]  }
0x3: {  	s2 =	rddreg [dreg:$0x1];
	s3 =	simm.s32 $0x0;
	s7 =	smul.u32 $0x13880, s0  }
0x4: {  	s17 =	simm.s32 $0x0;
	s6 =	sand.u32 $0x1, s1;
	s11 =	smul.u32 $0x140000, s0  }
0x5: {  	s26 =	sshll.u32 s0, $0x1;
	[smem:$0x7FF] =	sst s3;
	s14 =	smul.u32 $0x2800, s0  }
0x6: {  	s1 =	rddreg [dreg:$0x2];
	s9 =	sadd.s32 $0xACBA00, s5;
	s8 =	smul.u32 $0x138800, s6  }
0x7: {  	s31 =	sshll.u32 s0, $0x6;
	s4 =	sor.u32 s6, s26;
	s12 =	smul.u32 $0xA0000, s6  }
0x8: {  	_ =	strace $0x8000004A;
	s13 =	ssub.s32 $0x2, s6;
	s15 =	smul.u32 $0x1400, s6  }
0x9: {  	s4 =	smul.u32 $0x1400, s4;
	s28 =	sshrl.u32 s13, $0x1;
	s16 =	sadd.s32 s7, s2  }
0xa: {  	s8 =	sadd.s32 s7, s8;
	s13 =	ssub.s32 s13, s28;
	s29 =	sadd.s32 s12, s11  }
0xb: {  	s30 =	sadd.s32 s15, s14;
	s11 =	sor.u32 $0x1C02, s31;
	s12 =	sshrl.u32 s16, $0x3  }
0xc: {  	s14 =	simm.s32 $0x18C80;
	s15 =	simm.s32 $0x1;
	s4 =	sshrl.u32 s4, $0x3  }
0xd: {  	s16 =	simm.s32 $0x80;
	s8 =	sshrl.u32 s8, $0x3;
	s10 =	sadd.s32 s4, s5  }
0xe: {  	s4 =	sadd.s32 $0x2BA00, s5;
	s8 =	sadd.s32 s8, s5;
	s5 =	sadd.s32 $0x30A00, s10  }
0xf: {  	s6 =	sadd.s32 $0x84BA00, s8;
	s8 =	sshrl.u32 s29, $0x3;
	s10 =	sshll.u32 s30, $0x4  }
0x10: {  	s7 =	smax.u32 s13, $0x1;
	s8 =	sadd.s32 s8, s9;
	s9 =	sadd.s32 s10, s9  }
0x11: {  	s13 =	simm.s32 $0x14C80;
	s10 =	simm.s32 $0x2;
	s9 =	sadd.s32 $0x800, s9  }
.LBB2_1:
0x12: {  	s18 =	simm.s32 $0x13880  }
0x13: {  	[tilespmem:s18], [sflag:$0x2] =	stream.linear.gather [hbm4b:s5+s3], $0x1400, $0x38;
	[tilespmem:$0x1CC80] =	vst v63  }
0x14: {  	_ =	swait.ge [sflag:s10], $0x1400  }
0x15: {  	[sflag:s10] =	ssyncset.done $0x0  }
0x16: {  	[sflag:s10] =	ssyncadd.s32 $0xFFFFEC00  }
0x17: {  	[spmem:s12], [sflag:s11] =	dma.local [hbm:s4], $0x2710  }
0x18: {  	_ =	swait.ge [sflag:s10], $0x2710  }
0x19: {  	[sflag:s10] =	ssyncset.done $0x0  }
0x1a: {  	[sflag:s10] =	ssyncadd.s32 $0xFFFFD8F0  }
0x1b: {  	s19 =	sadd.s32 $0x0, s8;
	[bflag:$0x0] =	sbarrier.arrive $0xFFFF  }
0x1c: {  	[tilespmem:s13], [sflag:$0x1] =	stream.linear.gather [hbm4b:s19+s3], $0x4000, $0x38;
	[tilespmem:$0x1CC80] =	vst v63  }
0x1d: {  	s30 =	sadd.s32 $0x0, s9  }
0x1e: {  	[tilespmem:s14], [sflag:$0x1] =	stream.linear.gather [hbm4b:s30+s3], $0x4000, $0x38;
	[tilespmem:$0x1CC80] =	vst v63  }
0x1f: {  	_ =	swait.ge [sflag:s15], $0x8000  }
0x20: {  	[sflag:s15] =	ssyncset.done $0x0  }
0x21: {  	[sflag:s15] =	ssyncadd.s32 $0xFFFF8000  }
0x22: {  	[spmem:s2] =	stream.indirect.scatter.add.f32 [tilespmem:s13], [sflag:$0x2], $0x80, s18, s16, $0xb8;
	[tilespmem:$0x1CC80] =	vst v63  }
0x23: {  	_ =	swait.ge [sflag:s10], $0x4000  }
0x24: {  	[sflag:s10] =	ssyncset.done $0x0  }
0x25: {  	s31 =	simm.s32 $0x13900;
	[sflag:s10] =	ssyncadd.s32 $0xFFFFC000  }
0x26: {  	[spmem:s2] =	stream.indirect.scatter.add.f32 [tilespmem:s14], [sflag:$0x2], $0x80, s31, s16, $0xb8;
	[tilespmem:$0x1CC80] =	vst v63  }
0x27: {  	s20 =	simm.s32 $0x2000;
	_ =	swait.ge [sflag:s10], $0x4000  }
0x28: {  	s19 =	simm.s32 $0x1000;
	s18 =	simm.s32 $0x13980;
	[sflag:s10] =	ssyncset.done $0x0  }
.LBB2_2:
0x29: {  	s21 =	sadd.s32 s19, s8  }
0x2a: {  	[sflag:s10] =	ssyncadd.s32 $0xFFFFC000;
	s22 =	smov.u32 s20;
	s23 =	sadd.s32 $0x1000, s20  }
0x2b: {  	[tilespmem:s13], [sflag:$0x1] =	stream.linear.gather [hbm4b:s21+s3], $0x4000, $0x38;
	[tilespmem:$0x1CC80] =	vst v63  }
0x2c: {  	p0 =	sne.s32 s20, $0x13000;
	s20 =	sadd.s32 s19, s9;
	s19 =	smov.u32 s22  }
0x2d: {  	[tilespmem:s14], [sflag:$0x1] =	stream.linear.gather [hbm4b:s20+s3], $0x4000, $0x38;
	[tilespmem:$0x1CC80] =	vst v63  }
0x2e: {  	_ =	swait.ge [sflag:s15], $0x8000  }
0x2f: {  	[sflag:s15] =	ssyncset.done $0x0  }
0x30: {  	[sflag:s15] =	ssyncadd.s32 $0xFFFF8000  }
0x31: {  	[spmem:s2] =	stream.indirect.scatter.add.f32 [tilespmem:s13], [sflag:$0x2], $0x80, s18, s16, $0xb8;
	[tilespmem:$0x1CC80] =	vst v63  }
0x32: {  	_ =	swait.ge [sflag:s10], $0x4000  }
.Ltmp0:
0x33: {  	[sflag:s10] =	ssyncset.done $0x0;
	(pc) =	sbr.rel @p0 .LBB2_2-.Ltmp0, $4  }
0x34: {  	s20 =	sadd.s32 $0x80, s18;
	[sflag:s10] =	ssyncadd.s32 $0xFFFFC000  }
0x35: {  	[spmem:s2] =	stream.indirect.scatter.add.f32 [tilespmem:s14], [sflag:$0x2], $0x80, s20, s16, $0xb8;
	[tilespmem:$0x1CC80] =	vst v63  }
0x36: {  	_ =	swait.ge [sflag:s10], $0x4000  }
0x37: {  	s18 =	sadd.s32 $0x100, s18;
	s20 =	smov.u32 s23;
	[sflag:s10] =	ssyncset.done $0x0  }
0x38: {  	s20 =	sadd.s32 s19, s8;
	[sflag:s10] =	ssyncadd.s32 $0xFFFFC000  }
0x39: {  	[tilespmem:s13], [sflag:$0x1] =	stream.linear.gather [hbm4b:s20+s3], $0x4000, $0x38;
	[tilespmem:$0x1CC80] =	vst v63  }
0x3a: {  	s30 =	sadd.s32 s19, s9  }
0x3b: {  	[tilespmem:s14], [sflag:$0x1] =	stream.linear.gather [hbm4b:s30+s3], $0x4000, $0x38;
	[tilespmem:$0x1CC80] =	vst v63  }
0x3c: {  	_ =	swait.ge [sflag:s15], $0x8000  }
0x3d: {  	[sflag:s15] =	ssyncset.done $0x0  }
0x3e: {  	[sflag:s15] =	ssyncadd.s32 $0xFFFF8000  }
0x3f: {  	[spmem:s2] =	stream.indirect.scatter.add.f32 [tilespmem:s13], [sflag:$0x2], $0x80, s18, s16, $0xb8;
	[tilespmem:$0x1CC80] =	vst v63  }
0x40: {  	_ =	swait.ge [sflag:s10], $0x4000  }
0x41: {  	[sflag:s10] =	ssyncset.done $0x0  }
0x42: {  	s31 =	sadd.s32 $0x80, s18;
	[sflag:s10] =	ssyncadd.s32 $0xFFFFC000  }
0x43: {  	[spmem:s2] =	stream.indirect.scatter.add.f32 [tilespmem:s14], [sflag:$0x2], $0x80, s31, s16, $0xb8;
	[tilespmem:$0x1CC80] =	vst v63  }
0x44: {  	_ =	swait.ge [sflag:s10], $0x4000  }
0x45: {  	s17 =	sadd.s32 $0x1, s17;
	[sflag:s10] =	ssyncset.done $0x0  }
0x46: {  	p0 =	sne.s32 s17, s7;
	[sflag:s10] =	ssyncadd.s32 $0xFFFFC000  }
.Ltmp1:
0x47: {  	[bflag:$0x0] =	sbarrier.arrive $0xFFFF;
	(pc) =	sbr.rel @p0 .LBB2_1-.Ltmp1, $4  }
0x48: {  	[hbm:s6], [sflag:s11] =	dma.local [spmem:s12], $0x2710  }
0x49: {  	_ =	swait.ge [sflag:s10], $0x2710  }
0x4a: {  	[sflag:s10] =	ssyncset.done $0x0  }
0x4b: {  	[sflag:s10] =	ssyncadd.s32 $0xFFFFD8F0  }
0x4c: {  	_ =	sfence.sel $0x180000  }
0x4d: {  	[bflag:$0x0] =	sbarrier.arrive $0xFFFF  }
0x4e: {  	p0 =	sne.s32 s0, $0x0;
	_ =	strace $0x9000004A  }
0x4f: {  	s0 =	sadd.s32 @!p0 $0x100000, s1;
	[bflag:$0x2] =	sbarrier.arrive $0xFFFF  }
0x50: {  	[sflag:s0] =	ssyncadd.tile.s32 @!p0 $0x1;
	_ =	shalt  }
.Lfunc_end2:
_tile_overlayer_lowered:
.L_overlay_start_2:
0x51: {  	(tag) =	ssettag $0x2  }
0x52: {  	s0 =	rddreg [dreg:$0x0];
	s2 =	stileid.u32  }
0x53: {  	s1 =	rddreg [dreg:$0x1];
	p0 =	sne.s32 s2, $0x0  }
0x54: {  	s3 =	rddreg [dreg:$0x2];
	[bflag:$0x3] =	sbarrier.arrive $0xFFFF;
	s2 =	simm.s32 @!p0 $0x1C02  }
0x55: {  	[timem:s3], [sflag:s2] =	dma.local @!p0 [hbm:s0], s1  }
0x56: {  	s0 =	simm.s32 @!p0 $0x2  }
0x57: {  	_ =	swait.ge @!p0 [sflag:s0], s1  }
0x58: {  	s1 =	ssub.s32 @!p0 $0x0, s1;
	[sflag:s0] =	ssyncset.done @!p0 $0x0  }
0x59: {  	[sflag:s0] =	ssyncadd.s32 @!p0 s1  }
0x5a: {  	[bflag:$0x3] =	sbarrier.arrive $0xFFFF  }
0x5b: {  	_ =	shalt  }

// kernel: kernel.16.cloned.1.call-start
scs
__scs_entry_jumppad:
0x0: {  	(pc) =	sbr.rel $0x88, $3  }
0x1: {  	(tag) =	ssettag $0x0;
	lr =	simm.s32 $0x1  }
0x2: {  	[smem:$0x3F94] =	sst lr;
	_ =	strace $0xD0000000  }
0x3: {  	_ = 	snop  }
0x4: {  	_ = 	snop  }
0x5: {  	_ = 	snop  }
0x6: {  	_ = 	snop  }
0x7: {  	_ = 	snop  }
__scs_overlays_trampoline_lowered:
0x8: {  	[smem:$0x3FA3] =	sst s0  }
0x9: {  	[smem:$0x3FA4] =	sst s1  }
0xa: {  	[smem:$0x3FA5] =	sst s2  }
0xb: {  	[smem:$0x3FA6] =	sst s3  }
0xc: {  	[smem:$0x3FA7] =	sst s4  }
0xd: {  	[smem:$0x3FA8] =	sst s5  }
0xe: {  	[smem:$0x3FA9] =	sst s6  }
0xf: {  	[smem:$0x3FAA] =	sst s7  }
0x10: {  	[smem:$0x3FAB] =	sst s8  }
0x11: {  	[smem:$0x3FAC] =	sst s9;
	s0 =	simm.s32 @!p0 $0x0  }
0x12: {  	s1 =	sld [smem:$0x3F92];
	s0 =	simm.s32 @p0 $0x1  }
0x13: {  	[smem:$0x3FAD] =	sst s0;
	s0 =	simm.s32 @!p1 $0x0  }
0x14: {  	s2 =	sld [smem:$0x3F91];
	s0 =	simm.s32 @p1 $0x1  }
0x15: {  	[smem:$0x3FAE] =	sst s0;
	s0 =	simm.s32 @!p2 $0x0  }
0x16: {  	s3 =	sld [smem:$0x3FDB];
	s0 =	simm.s32 @p2 $0x1  }
0x17: {  	s4 =	simm.s32 $0x1BF5;
	[smem:$0x3FB0] =	sst s0  }
0x18: {  	s0 =	sld [smem:$0x3F93];
	_ =	swait.ge [sflag:s4], $0x0  }
0x19: {  	s7 =	sld [smem:$0x3F94]  }
0x1a: {  	s8 =	sadd.s32 $0xFFFFE003, lr  }
0x1b: {  	s9 =	sadd.s32 $0xFFFFFEF7, lr;
	s5 =	simm.s32 $0xFFFFFFFF;
	p2 =	slt.u32 s8, $0xFFFFF086  }
0x1c: {  	p1 =	slt.u32 s9, $0xF7A;
	s5 =	simm.s32 @!p2 $0x0  }
0x1d: {  	s5 =	simm.s32 @p1 $0x1;
	p0 =	seq.s32 s7, s2  }
0x1e: {  	s7 =	smul.u32 @!p0 $0xF7A, s2;
	p2 =	seq.s32 @!p0 s5, $0x0  }
0x1f: {  	s9 =	smul.u32 $0xF7A, s1;
	s8 =	simm.s32 @!p0 $0x1BF5;
	p2 =	por !p2, p0  }
0x20: {  	[sflag:s8] =	ssyncset.s32 @!p0 $0xFFFFF086;
	s6 =	sadd.s32 @!p0 s3, s7;
	s7 =	simm.s32 @!p0 $0x108  }
0x21: {  	s3 =	sadd.s32 s3, s9;
	s6 =	sadd.s32 @!p0 $0x88, s6;
	s7 =	simm.s32 @p2 $0x1082  }
0x22: {  	[simem:s7], [sflag:s8] =	dma.local @!p0 [hbm:s6], $0xF7A  }
0x23: {  	s9 =	sor.u32 $0xD0000000, s2;
	s6 =	simm.s32 $0x108;
	_ =	swait.ge @!p0 [sflag:s8], $0x0  }
0x24: {  	s3 =	sadd.s32 $0x88, s3;
	s6 =	simm.s32 @!p1 $0x1082;
	[sflag:s4] =	ssyncset.s32 $0xFFFFF086  }
0x25: {  	[simem:s6], [sflag:s4] =	dma.local [hbm:s3], $0xF7A  }
0x26: {  	[smem:$0x3F94] =	sst s1;
	(tag) =	ssettag s2;
	_ =	strace s9  }
0x27: {  	s1 =	sld [smem:$0x3FA4]  }
0x28: {  	s2 =	sld [smem:$0x3FA5]  }
0x29: {  	s4 =	sld [smem:$0x3FA7]  }
0x2a: {  	p0 =	seq.s32 s5, $0x0;
	s5 =	sld [smem:$0x3FA8]  }
0x2b: {  	s6 =	sld [smem:$0x3FA9]  }
0x2c: {  	s7 =	sld [smem:$0x3FAA]  }
0x2d: {  	s3 =	simm.s32 $0x108;
	s8 =	sld [smem:$0x3FAB]  }
0x2e: {  	s3 =	simm.s32 @!p0 $0x1082;
	s9 =	sld [smem:$0x3FAC]  }
0x2f: {  	lr =	sadd.s32 s0, s3;
	s0 =	sld [smem:$0x3FA3]  }
0x30: {  	s3 =	sld [smem:$0x3FA6]  }
0x31: {  	[smem:$0x3FAF] =	sst s10  }
0x32: {  	s10 =	sld [smem:$0x3FAD];
	_ =	sdelay $0x3  }
0x33: {  	p0 =	seq.s32 s10, $0x1;
	s10 =	sld [smem:$0x3FAF];
	_ =	sdelay $0x3  }
0x34: {  	[smem:$0x3FAF] =	sst s10  }
0x35: {  	s10 =	sld [smem:$0x3FAE];
	_ =	sdelay $0x3  }
0x36: {  	p1 =	seq.s32 s10, $0x1;
	s10 =	sld [smem:$0x3FAF];
	_ =	sdelay $0x3  }
0x37: {  	[smem:$0x3FAF] =	sst s10  }
0x38: {  	s10 =	sld [smem:$0x3FB0]  }
0x39: {  	_ = 	snop;
	(pc) =	sbr.ind lr, $3  }
0x3a: {  	_ = 	snop  }
0x3b: {  	_ = 	snop  }
0x3c: {  	p2 =	seq.s32 s10, $0x1;
	s10 =	sld [smem:$0x3FAF]  }
0x3d: {  	_ =	shalt  }
0x3e: {  	_ =	shalt  }
0x3f: {  	_ =	shalt  }
0x40: {  	_ =	shalt  }
0x41: {  	_ =	shalt  }
0x42: {  	_ =	shalt  }
0x43: {  	_ =	shalt  }
0x44: {  	_ =	shalt  }
0x45: {  	_ =	shalt  }
0x46: {  	_ =	shalt  }
0x47: {  	_ =	shalt  }
0x48: {  	_ =	shalt  }
0x49: {  	_ =	shalt  }
0x4a: {  	_ =	shalt  }
0x4b: {  	_ =	shalt  }
0x4c: {  	_ =	shalt  }
0x4d: {  	_ =	shalt  }
0x4e: {  	_ =	shalt  }
0x4f: {  	_ =	shalt  }
0x50: {  	_ =	shalt  }
0x51: {  	_ =	shalt  }
0x52: {  	_ =	shalt  }
0x53: {  	_ =	shalt  }
0x54: {  	_ =	shalt  }
0x55: {  	_ =	shalt  }
0x56: {  	_ =	shalt  }
0x57: {  	_ =	shalt  }
0x58: {  	_ =	shalt  }
0x59: {  	_ =	shalt  }
0x5a: {  	_ =	shalt  }
0x5b: {  	_ =	shalt  }
0x5c: {  	_ =	shalt  }
0x5d: {  	_ =	shalt  }
0x5e: {  	_ =	shalt  }
0x5f: {  	_ =	shalt  }
0x60: {  	_ =	shalt  }
0x61: {  	_ =	shalt  }
0x62: {  	_ =	shalt  }
0x63: {  	_ =	shalt  }
0x64: {  	_ =	shalt  }
0x65: {  	_ =	shalt  }
0x66: {  	_ =	shalt  }
0x67: {  	_ =	shalt  }
0x68: {  	_ =	shalt  }
0x69: {  	_ =	shalt  }
0x6a: {  	_ =	shalt  }
0x6b: {  	_ =	shalt  }
0x6c: {  	_ =	shalt  }
0x6d: {  	_ =	shalt  }
0x6e: {  	_ =	shalt  }
0x6f: {  	_ =	shalt  }
0x70: {  	_ =	shalt  }
0x71: {  	_ =	shalt  }
0x72: {  	_ =	shalt  }
0x73: {  	_ =	shalt  }
0x74: {  	_ =	shalt  }
0x75: {  	_ =	shalt  }
0x76: {  	_ =	shalt  }
0x77: {  	_ =	shalt  }
0x78: {  	_ =	shalt  }
0x79: {  	_ =	shalt  }
0x7a: {  	_ =	shalt  }
0x7b: {  	_ =	shalt  }
0x7c: {  	_ =	shalt  }
0x7d: {  	_ =	shalt  }
0x7e: {  	_ =	shalt  }
0x7f: {  	_ =	shalt  }
0x80: {  	_ =	shalt  }
0x81: {  	_ =	shalt  }
0x82: {  	_ =	shalt  }
0x83: {  	_ =	shalt  }
0x84: {  	_ =	shalt  }
0x85: {  	_ =	shalt  }
0x86: {  	_ =	shalt  }
0x87: {  	_ =	shalt  }
.Lfunc_end0:
.L_simem_size_0:
called_computation.2_lowered:
.L_overlay_start_0:
0x88: {  	s2 =	sld [smem:$0x3FD9]  }
0x89: {  	s3 =	sld [smem:$0x3FFE];
	_ =	sdelay $0x1  }
0x8a: {  	s1 =	srdreg.scid  }
0x8b: {  	s0 =	sand.u32 $0x1, s1  }
0x8c: {  	s16 =	sshll.u32 s0, $0xA;
	s2 =	sadd.s32 s3, s2  }
0x8d: {  	s2 =	sadd.s32 s2, s16  }
0x8e: {  	[smem:$0x3FBB] =	sst s2  }
0x8f: {  	_ = 	snop  }
0x90: {  	(tm) =	ssettm $0x1  }
0x91: {  	s17 =	sld [smem:$0x3FFB];
	_ =	sdelay $0x3  }
0x92: {  	_ =	strace s17  }
0x93: {  	s2 =	sld [smem:$0x3FFC];
	_ =	sdelay $0x3  }
0x94: {  	_ =	strace s2  }
0x95: {  	s2 =	sld [smem:$0x3FFD];
	_ =	sdelay $0x3  }
0x96: {  	_ =	strace s2  }
0x97: {  	_ =	strace $0x8FFFFFFF  }
0x98: {  	s18 =	sld [smem:$0x3FDB];
	_ =	sdelay $0x1  }
0x99: {  	s19 =	simm.s32 $_scs_section_size  }
0x9a: {  	s4 =	simm.s32 $_size__tile_overlayer_lowered;
	s5 =	simm.s32 $_tile_overlayer_lowered  }
0x9b: {  	s22 =	simm.s32 $0x1BFF;
	s21 =	sshll.u32 s5, $0x1;
	s2 =	sadd.s32 s19, s18  }
0x9c: {  	s6 =	simm.s32 $0x0;
	s20 =	sshll.u32 s4, $0x1;
	s4 =	sadd.s32 s21, s2  }
0x9d: {  	[timem:s6], [sflag:s22] =	dma.local [hbm:s4], s20  }
0x9e: {  	_ =	swait.ge [sflag:s22], s20  }
0x9f: {  	s3 =	ssub.s32 $0x0, s20;
	[sflag:s22] =	ssyncset.done $0x0  }
0xa0: {  	[sflag:s22] =	ssyncadd.s32 s3;
	_ =	sdelay $0x1  }
0xa1: {  	s23 =	simm.s32 $0x1B8B  }
0xa2: {  	_ =	swait.ge [sflag:s23], $0x1  }
0xa3: {  	[sflag:s23] =	ssyncset.done $0x0  }
0xa4: {  	s25 =	simm.s32 $0x1B8E;
	s24 =	sld [smem:$0x3FFE];
	[sflag:s23] =	ssyncadd.s32 $0xFFFFFFFF  }
0xa5: {  	s26 =	simm.s32 $execute0_lowered;
	[smem:$0x3FD2] =	sst s25  }
0xa6: {  	s4 =	sshll.u32 s26, $0x1;
	_ =	strace $0x8000004C;
	[dreg:$0x1] =	wrdreg $0xFFFFFFFF  }
0xa7: {  	s28 =	simm.s32 $_size_execute0_lowered;
	s2 =	sadd.s32 s2, s4;
	[dreg:$0x0] =	wrdreg $0x0  }
0xa8: {  	s4 =	sshll.u32 s28, $0x1;
	[dreg:$0x2] =	wrdreg s2  }
0xa9: {  	[dreg:$0x3] =	wrdreg s4  }
0xaa: {  	[dreg:$0x4] =	wrdreg $0xC0  }
0xab: {  	_ =	task [dreg:s6], $0x5FFFF  }
0xac: {  	[dreg:$0x1] =	wrdreg $0xFFFFFFFF  }
0xad: {  	[dreg:$0x0] =	wrdreg $0x60  }
0xae: {  	[dreg:$0x2] =	wrdreg s24  }
0xaf: {  	[dreg:$0x3] =	wrdreg $0x9  }
0xb0: {  	_ =	task.clear_ibuf [dreg:s6], $0x4FFFF;
	_ =	strace $0x9000004C  }
0xb1: {  	s29 =	simm.s32 $0x9;
	_ =	strace $0x8000004E  }
0xb2: {  	_ =	swait.ge [sflag:s29], $0x1  }
0xb3: {  	[sflag:s29] =	ssyncadd.s32 $0xFFFFFFFF  }
0xb4: {  	_ =	strace $0x9000004E  }
0xb5: {  	_ =	sfence  }
0xb6: {  	s30 =	sld [smem:$0x0];
	_ =	sdelay $0x2  }
0xb7: {  	s31 =	sshll.u32 s1, $0xD;
	s1 =	sshrl.u32 s1, $0x2  }
0xb8: {  	s3 =	sand.u32 $0x4000, s31;
	s1 =	sadd.s32 s1, s30  }
0xb9: {  	s0 =	sor.u32 s3, s0;
	s1 =	sshll.u32 s1, $0x11  }
0xba: {  	s0 =	sor.u32 s1, s0  }
0xbb: {  	s0 =	sadd.s32 $0x8F2B, s0  }
0xbc: {  	[sflag:s0] =	ssyncadd.remote.s32 $0x1  }
0xbd: {  	_ =	sfence.sel $0xFFFF  }
0xbe: {  	[dreg:$0x0] =	wrdreg $0xFFFFFFFF;
	(pc) =	sbr.abs _section_cstart, $3  }
0xbf: {  	[dreg:$0x1] =	wrdreg $0xFFFFFFFF  }
0xc0: {  	_ =	task.clear_ibuf [dreg:s6], $0x2FFFF;
	_ =	strace $0x9FFFFFFF  }
0xc1: {  	(tm) =	ssettm $0x7FFFFFFF  }
tec
execute0_lowered:
.L_overlay_start_1:
0x0: {  	(tag) =	ssettag $0x1  }
0x1: {  	s1 =	srdreg.scid  }
0x2: {  	s0 =	stileid.u32;
	s4 =	rddreg [dreg:$0x0];
	s2 =	simm.s32 $0x0  }
0x3: {  	s16 =	simm.s32 $0x3;
	s17 =	simm.s32 $0x80;
	s18 =	simm.s32 $0x1400  }
0x4: {  	s19 =	simm.s32 $0x5400;
	s20 =	simm.s32 $0x100;
	s21 =	simm.s32 $0x9400  }
0x5: {  	s22 =	simm.s32 $0x180;
	s23 =	simm.s32 $0xD400;
	s24 =	simm.s32 $0x200  }
0x6: {  	s25 =	simm.s32 $0x11400;
	s26 =	simm.s32 $0x1;
	s28 =	simm.s32 $0x2  }
0x7: {  	s29 =	simm.s32 $0x0;
	s1 =	sand.u32 $0x1, s1;
	s9 =	smul.u32 $0x2800, s0  }
0x8: {  	s3 =	sshll.u32 s0, $0x1;
	[smem:$0x7FF] =	sst s2;
	s12 =	smul.u32 $0x28000, s0  }
0x9: {  	s11 =	sadd.s32 $0x3AA00, s4;
	s5 =	sor.u32 s1, s3;
	s10 =	smul.u32 $0x1400, s1  }
0xa: {  	_ =	strace $0x8000004D;
	s7 =	ssub.s32 $0x2, s1;
	s1 =	smul.u32 $0x14000, s1  }
0xb: {  	s3 =	sadd.s32 $0x84BA00, s4;
	s6 =	smul.u32 $0x1400, s5;
	s8 =	sshrl.u32 s7, $0x1  }
0xc: {  	s5 =	smul.u32 $0x14000, s5;
	s12 =	sadd.s32 s12, s11;
	s7 =	ssub.s32 s7, s8  }
0xd: {  	s10 =	sadd.s32 s10, s9;
	s1 =	sadd.s32 s1, s12;
	s6 =	sshrl.u32 s6, $0x3  }
0xe: {  	s5 =	sadd.s32 s11, s5;
	s13 =	sshll.u32 s10, $0x4;
	s6 =	sadd.s32 s6, s4  }
0xf: {  	s8 =	sadd.s32 $0x1000, s5;
	s9 =	sadd.s32 $0x1800, s5;
	s10 =	sadd.s32 $0x2000, s5  }
0x10: {  	s15 =	sadd.s32 s13, s11;
	s11 =	sadd.s32 $0x2800, s1;
	s4 =	sadd.s32 $0x30A00, s6  }
0x11: {  	s6 =	smax.u32 s7, $0x1;
	s7 =	sadd.s32 $0x800, s5;
	s12 =	sadd.s32 $0x4800, s15  }
0x12: {  	s13 =	sadd.s32 $0x4000, s15;
	s14 =	sadd.s32 $0x3800, s15;
	s15 =	sadd.s32 $0x3000, s15  }
.LBB2_1:
0x13: {  	[tilespmem:s2], [sflag:$0x3] =	stream.linear.gather [hbm4b:s4+s2], $0x1400, $0x38;
	[tilespmem:$0x15400] =	vst v63  }
0x14: {  	_ =	swait.ge [sflag:s16], $0x1400  }
0x15: {  	[sflag:s16] =	ssyncset.done $0x0  }
0x16: {  	[sflag:s16] =	ssyncadd.s32 $0xFFFFEC00  }
0x17: {  	[tilespmem:s18], [sflag:$0x1] =	stream.indirect.gather [hbm4b:s3+s17], $0x80, s2, s17, $0xb8;
	[tilespmem:$0x15400] =	vst v63  }
0x18: {  	_ = 	snop  }
0x19: {  	[tilespmem:s19], [sflag:$0x1] =	stream.indirect.gather [hbm4b:s3+s17], $0x80, s17, s17, $0xb8;
	[tilespmem:$0x15400] =	vst v63  }
0x1a: {  	_ = 	snop  }
0x1b: {  	[tilespmem:s21], [sflag:$0x1] =	stream.indirect.gather [hbm4b:s3+s17], $0x80, s20, s17, $0xb8;
	[tilespmem:$0x15400] =	vst v63  }
0x1c: {  	_ = 	snop  }
0x1d: {  	[tilespmem:s23], [sflag:$0x1] =	stream.indirect.gather [hbm4b:s3+s17], $0x80, s22, s17, $0xb8;
	[tilespmem:$0x15400] =	vst v63  }
0x1e: {  	_ = 	snop  }
0x1f: {  	[tilespmem:s25], [sflag:$0x1] =	stream.indirect.gather [hbm4b:s3+s17], $0x80, s24, s17, $0xb8;
	[tilespmem:$0x15400] =	vst v63  }
0x20: {  	_ =	swait.ge [sflag:s26], $0x14000  }
0x21: {  	[sflag:s26] =	ssyncset.done $0x0  }
0x22: {  	[sflag:s26] =	ssyncadd.s32 $0xFFFEC000  }
0x23: {  	[hbm4b:s5+s2] =	stream.linear.scatter [tilespmem:s18], [sflag:$0x2], $0x4000, $0x38;
	[tilespmem:$0x15400] =	vst v63  }
0x24: {  	_ = 	snop  }
0x25: {  	[hbm4b:s7+s2] =	stream.linear.scatter [tilespmem:s19], [sflag:$0x2], $0x4000, $0x38;
	[tilespmem:$0x15400] =	vst v63  }
0x26: {  	_ = 	snop  }
0x27: {  	[hbm4b:s8+s2] =	stream.linear.scatter [tilespmem:s21], [sflag:$0x2], $0x4000, $0x38;
	[tilespmem:$0x15400] =	vst v63  }
0x28: {  	_ = 	snop  }
0x29: {  	[hbm4b:s9+s2] =	stream.linear.scatter [tilespmem:s23], [sflag:$0x2], $0x4000, $0x38;
	[tilespmem:$0x15400] =	vst v63  }
0x2a: {  	_ = 	snop  }
0x2b: {  	[hbm4b:s10+s2] =	stream.linear.scatter [tilespmem:s25], [sflag:$0x2], $0x4000, $0x38;
	[tilespmem:$0x15400] =	vst v63  }
0x2c: {  	_ =	swait.ge [sflag:s28], $0x14000  }
0x2d: {  	[sflag:s28] =	ssyncset.done $0x0  }
0x2e: {  	s1 =	simm.s32 $0x280;
	[sflag:s28] =	ssyncadd.s32 $0xFFFEC000  }
0x2f: {  	[tilespmem:s18], [sflag:$0x1] =	stream.indirect.gather [hbm4b:s3+s17], $0x80, s1, s17, $0xb8;
	[tilespmem:$0x15400] =	vst v63  }
0x30: {  	s0 =	simm.s32 $0x300  }
0x31: {  	[tilespmem:s19], [sflag:$0x1] =	stream.indirect.gather [hbm4b:s3+s17], $0x80, s0, s17, $0xb8;
	[tilespmem:$0x15400] =	vst v63  }
0x32: {  	s0 =	simm.s32 $0x380  }
0x33: {  	[tilespmem:s21], [sflag:$0x1] =	stream.indirect.gather [hbm4b:s3+s17], $0x80, s0, s17, $0xb8;
	[tilespmem:$0x15400] =	vst v63  }
0x34: {  	s0 =	simm.s32 $0x400  }
0x35: {  	[tilespmem:s23], [sflag:$0x1] =	stream.indirect.gather [hbm4b:s3+s17], $0x80, s0, s17, $0xb8;
	[tilespmem:$0x15400] =	vst v63  }
0x36: {  	s0 =	simm.s32 $0x480  }
0x37: {  	[tilespmem:s25], [sflag:$0x1] =	stream.indirect.gather [hbm4b:s3+s17], $0x80, s0, s17, $0xb8;
	[tilespmem:$0x15400] =	vst v63  }
0x38: {  	_ =	swait.ge [sflag:s26], $0x14000  }
0x39: {  	[sflag:s26] =	ssyncset.done $0x0  }
0x3a: {  	s0 =	sadd.s32 $0x0, s11;
	[sflag:s26] =	ssyncadd.s32 $0xFFFEC000  }
0x3b: {  	[hbm4b:s0+s2] =	stream.linear.scatter [tilespmem:s18], [sflag:$0x2], $0x4000, $0x38;
	[tilespmem:$0x15400] =	vst v63  }
0x3c: {  	s0 =	sadd.s32 $0x0, s15  }
0x3d: {  	[hbm4b:s0+s2] =	stream.linear.scatter [tilespmem:s19], [sflag:$0x2], $0x4000, $0x38;
	[tilespmem:$0x15400] =	vst v63  }
0x3e: {  	s30 =	simm.s32 $0x2800;
	s0 =	sadd.s32 $0x0, s14  }
0x3f: {  	[hbm4b:s0+s2] =	stream.linear.scatter [tilespmem:s21], [sflag:$0x2], $0x4000, $0x38;
	[tilespmem:$0x15400] =	vst v63  }
0x40: {  	s31 =	simm.s32 $0x700;
	s1 =	sadd.s32 $0x0, s12;
	s0 =	sadd.s32 $0x0, s13  }
0x41: {  	[hbm4b:s0+s2] =	stream.linear.scatter [tilespmem:s23], [sflag:$0x2], $0x4000, $0x38;
	[tilespmem:$0x15400] =	vst v63  }
.LBB2_2:
0x42: {  	[hbm4b:s1+s2] =	stream.linear.scatter [tilespmem:s25], [sflag:$0x2], $0x4000, $0x38;
	[tilespmem:$0x15400] =	vst v63  }
0x43: {  	s1 =	smov.u32 s30  }
0x44: {  	p0 =	sne.s32 s30, $0xF000;
	s30 =	sadd.s32 $0x2800, s30;
	_ =	swait.ge [sflag:s28], $0x14000  }
0x45: {  	[sflag:s28] =	ssyncset.done $0x0  }
0x46: {  	s0 =	sadd.s32 $0xFFFFFE00, s31;
	[sflag:s28] =	ssyncadd.s32 $0xFFFEC000  }
0x47: {  	[tilespmem:s18], [sflag:$0x1] =	stream.indirect.gather [hbm4b:s3+s17], $0x80, s0, s17, $0xb8;
	[tilespmem:$0x15400] =	vst v63  }
0x48: {  	s0 =	sadd.s32 $0xFFFFFE80, s31  }
0x49: {  	[tilespmem:s19], [sflag:$0x1] =	stream.indirect.gather [hbm4b:s3+s17], $0x80, s0, s17, $0xb8;
	[tilespmem:$0x15400] =	vst v63  }
0x4a: {  	s0 =	sadd.s32 $0xFFFFFF00, s31  }
0x4b: {  	[tilespmem:s21], [sflag:$0x1] =	stream.indirect.gather [hbm4b:s3+s17], $0x80, s0, s17, $0xb8;
	[tilespmem:$0x15400] =	vst v63  }
0x4c: {  	s0 =	sadd.s32 $0xFFFFFF80, s31  }
0x4d: {  	[tilespmem:s23], [sflag:$0x1] =	stream.indirect.gather [hbm4b:s3+s17], $0x80, s0, s17, $0xb8;
	[tilespmem:$0x15400] =	vst v63  }
0x4e: {  	_ = 	snop  }
0x4f: {  	[tilespmem:s25], [sflag:$0x1] =	stream.indirect.gather [hbm4b:s3+s17], $0x80, s31, s17, $0xb8;
	[tilespmem:$0x15400] =	vst v63  }
0x50: {  	_ =	swait.ge [sflag:s26], $0x14000  }
0x51: {  	[sflag:s26] =	ssyncset.done $0x0  }
0x52: {  	s0 =	sadd.s32 s1, s11;
	[sflag:s26] =	ssyncadd.s32 $0xFFFEC000  }
0x53: {  	[hbm4b:s0+s2] =	stream.linear.scatter [tilespmem:s18], [sflag:$0x2], $0x4000, $0x38;
	[tilespmem:$0x15400] =	vst v63  }
0x54: {  	s0 =	sadd.s32 s1, s15  }
0x55: {  	[hbm4b:s0+s2] =	stream.linear.scatter [tilespmem:s19], [sflag:$0x2], $0x4000, $0x38;
	[tilespmem:$0x15400] =	vst v63  }
.Ltmp0:
0x56: {  	s0 =	sadd.s32 s1, s14;
	(pc) =	sbr.rel @p0 .LBB2_2-.Ltmp0, $4  }
0x57: {  	[hbm4b:s0+s2] =	stream.linear.scatter [tilespmem:s21], [sflag:$0x2], $0x4000, $0x38;
	[tilespmem:$0x15400] =	vst v63  }
0x58: {  	s0 =	sadd.s32 s1, s13  }
0x59: {  	[hbm4b:s0+s2] =	stream.linear.scatter [tilespmem:s23], [sflag:$0x2], $0x4000, $0x38;
	[tilespmem:$0x15400] =	vst v63  }
0x5a: {  	s31 =	sadd.s32 $0x280, s31;
	s1 =	sadd.s32 s1, s12  }
0x5b: {  	s29 =	sadd.s32 $0x1, s29  }
0x5c: {  	p0 =	sne.s32 s29, s6  }
.Ltmp1:
0x5d: {  	_ = 	snop;
	(pc) =	sbr.rel @p0 .LBB2_1-.Ltmp1, $4  }
0x5e: {  	[hbm4b:s1+s2] =	stream.linear.scatter [tilespmem:s25], [sflag:$0x2], $0x4000, $0x38;
	[tilespmem:$0x15400] =	vst v63  }
0x5f: {  	_ =	swait.ge [sflag:s28], $0x14000  }
0x60: {  	[sflag:s28] =	ssyncset.done $0x0  }
0x61: {  	[sflag:s28] =	ssyncadd.s32 $0xFFFEC000  }
0x62: {  	_ =	sfence.sel $0x180000  }
0x63: {  	[bflag:$0x0] =	sbarrier.arrive $0xFFFF  }
0x64: {  	_ =	strace $0x9000004D  }
0x65: {  	s0 =	stileid.u32;
	[bflag:$0x2] =	sbarrier.arrive $0xFFFF  }
0x66: {  	p0 =	sne.s32 s0, $0x0;
	s0 =	rddreg [dreg:$0x1]  }
0x67: {  	s0 =	sadd.s32 @!p0 $0x100000, s0  }
0x68: {  	[sflag:s0] =	ssyncadd.tile.s32 @!p0 $0x1;
	_ =	shalt  }
.Lfunc_end2:
_tile_overlayer_lowered:
.L_overlay_start_2:
0x69: {  	(tag) =	ssettag $0x2  }
0x6a: {  	s0 =	rddreg [dreg:$0x0];
	s2 =	stileid.u32  }
0x6b: {  	s1 =	rddreg [dreg:$0x1];
	p0 =	sne.s32 s2, $0x0  }
0x6c: {  	s3 =	rddreg [dreg:$0x2];
	[bflag:$0x3] =	sbarrier.arrive $0xFFFF;
	s2 =	simm.s32 @!p0 $0x1C03  }
0x6d: {  	[timem:s3], [sflag:s2] =	dma.local @!p0 [hbm:s0], s1  }
0x6e: {  	s0 =	simm.s32 @!p0 $0x3  }
0x6f: {  	_ =	swait.ge @!p0 [sflag:s0], s1  }
0x70: {  	s1 =	ssub.s32 @!p0 $0x0, s1;
	[sflag:s0] =	ssyncset.done @!p0 $0x0  }
0x71: {  	[sflag:s0] =	ssyncadd.s32 @!p0 s1  }
0x72: {  	[bflag:$0x3] =	sbarrier.arrive $0xFFFF  }
0x73: {  	_ =	shalt  }

// kernel: kernel.19.cloned.1.call-start
scs
__scs_entry_jumppad:
0x0: {  	(pc) =	sbr.rel $0x88, $3  }
0x1: {  	(tag) =	ssettag $0x0;
	lr =	simm.s32 $0x1  }
0x2: {  	[smem:$0x3F94] =	sst lr;
	_ =	strace $0xD0000000  }
0x3: {  	_ = 	snop  }
0x4: {  	_ = 	snop  }
0x5: {  	_ = 	snop  }
0x6: {  	_ = 	snop  }
0x7: {  	_ = 	snop  }
__scs_overlays_trampoline_lowered:
0x8: {  	[smem:$0x3FA3] =	sst s0  }
0x9: {  	[smem:$0x3FA4] =	sst s1  }
0xa: {  	[smem:$0x3FA5] =	sst s2  }
0xb: {  	[smem:$0x3FA6] =	sst s3  }
0xc: {  	[smem:$0x3FA7] =	sst s4  }
0xd: {  	[smem:$0x3FA8] =	sst s5  }
0xe: {  	[smem:$0x3FA9] =	sst s6  }
0xf: {  	[smem:$0x3FAA] =	sst s7  }
0x10: {  	[smem:$0x3FAB] =	sst s8  }
0x11: {  	[smem:$0x3FAC] =	sst s9;
	s0 =	simm.s32 @!p0 $0x0  }
0x12: {  	s1 =	sld [smem:$0x3F92];
	s0 =	simm.s32 @p0 $0x1  }
0x13: {  	[smem:$0x3FAD] =	sst s0;
	s0 =	simm.s32 @!p1 $0x0  }
0x14: {  	s2 =	sld [smem:$0x3F91];
	s0 =	simm.s32 @p1 $0x1  }
0x15: {  	[smem:$0x3FAE] =	sst s0;
	s0 =	simm.s32 @!p2 $0x0  }
0x16: {  	s3 =	sld [smem:$0x3FDB];
	s0 =	simm.s32 @p2 $0x1  }
0x17: {  	s4 =	simm.s32 $0x1BF5;
	[smem:$0x3FB0] =	sst s0  }
0x18: {  	s0 =	sld [smem:$0x3F93];
	_ =	swait.ge [sflag:s4], $0x0  }
0x19: {  	s7 =	sld [smem:$0x3F94]  }
0x1a: {  	s8 =	sadd.s32 $0xFFFFE003, lr  }
0x1b: {  	s9 =	sadd.s32 $0xFFFFFEF7, lr;
	s5 =	simm.s32 $0xFFFFFFFF;
	p2 =	slt.u32 s8, $0xFFFFF086  }
0x1c: {  	p1 =	slt.u32 s9, $0xF7A;
	s5 =	simm.s32 @!p2 $0x0  }
0x1d: {  	s5 =	simm.s32 @p1 $0x1;
	p0 =	seq.s32 s7, s2  }
0x1e: {  	s7 =	smul.u32 @!p0 $0xF7A, s2;
	p2 =	seq.s32 @!p0 s5, $0x0  }
0x1f: {  	s9 =	smul.u32 $0xF7A, s1;
	s8 =	simm.s32 @!p0 $0x1BF5;
	p2 =	por !p2, p0  }
0x20: {  	[sflag:s8] =	ssyncset.s32 @!p0 $0xFFFFF086;
	s6 =	sadd.s32 @!p0 s3, s7;
	s7 =	simm.s32 @!p0 $0x108  }
0x21: {  	s3 =	sadd.s32 s3, s9;
	s6 =	sadd.s32 @!p0 $0x88, s6;
	s7 =	simm.s32 @p2 $0x1082  }
0x22: {  	[simem:s7], [sflag:s8] =	dma.local @!p0 [hbm:s6], $0xF7A  }
0x23: {  	s9 =	sor.u32 $0xD0000000, s2;
	s6 =	simm.s32 $0x108;
	_ =	swait.ge @!p0 [sflag:s8], $0x0  }
0x24: {  	s3 =	sadd.s32 $0x88, s3;
	s6 =	simm.s32 @!p1 $0x1082;
	[sflag:s4] =	ssyncset.s32 $0xFFFFF086  }
0x25: {  	[simem:s6], [sflag:s4] =	dma.local [hbm:s3], $0xF7A  }
0x26: {  	[smem:$0x3F94] =	sst s1;
	(tag) =	ssettag s2;
	_ =	strace s9  }
0x27: {  	s1 =	sld [smem:$0x3FA4]  }
0x28: {  	s2 =	sld [smem:$0x3FA5]  }
0x29: {  	s4 =	sld [smem:$0x3FA7]  }
0x2a: {  	p0 =	seq.s32 s5, $0x0;
	s5 =	sld [smem:$0x3FA8]  }
0x2b: {  	s6 =	sld [smem:$0x3FA9]  }
0x2c: {  	s7 =	sld [smem:$0x3FAA]  }
0x2d: {  	s3 =	simm.s32 $0x108;
	s8 =	sld [smem:$0x3FAB]  }
0x2e: {  	s3 =	simm.s32 @!p0 $0x1082;
	s9 =	sld [smem:$0x3FAC]  }
0x2f: {  	lr =	sadd.s32 s0, s3;
	s0 =	sld [smem:$0x3FA3]  }
0x30: {  	s3 =	sld [smem:$0x3FA6]  }
0x31: {  	[smem:$0x3FAF] =	sst s10  }
0x32: {  	s10 =	sld [smem:$0x3FAD];
	_ =	sdelay $0x3  }
0x33: {  	p0 =	seq.s32 s10, $0x1;
	s10 =	sld [smem:$0x3FAF];
	_ =	sdelay $0x3  }
0x34: {  	[smem:$0x3FAF] =	sst s10  }
0x35: {  	s10 =	sld [smem:$0x3FAE];
	_ =	sdelay $0x3  }
0x36: {  	p1 =	seq.s32 s10, $0x1;
	s10 =	sld [smem:$0x3FAF];
	_ =	sdelay $0x3  }
0x37: {  	[smem:$0x3FAF] =	sst s10  }
0x38: {  	s10 =	sld [smem:$0x3FB0]  }
0x39: {  	_ = 	snop;
	(pc) =	sbr.ind lr, $3  }
0x3a: {  	_ = 	snop  }
0x3b: {  	_ = 	snop  }
0x3c: {  	p2 =	seq.s32 s10, $0x1;
	s10 =	sld [smem:$0x3FAF]  }
0x3d: {  	_ =	shalt  }
0x3e: {  	_ =	shalt  }
0x3f: {  	_ =	shalt  }
0x40: {  	_ =	shalt  }
0x41: {  	_ =	shalt  }
0x42: {  	_ =	shalt  }
0x43: {  	_ =	shalt  }
0x44: {  	_ =	shalt  }
0x45: {  	_ =	shalt  }
0x46: {  	_ =	shalt  }
0x47: {  	_ =	shalt  }
0x48: {  	_ =	shalt  }
0x49: {  	_ =	shalt  }
0x4a: {  	_ =	shalt  }
0x4b: {  	_ =	shalt  }
0x4c: {  	_ =	shalt  }
0x4d: {  	_ =	shalt  }
0x4e: {  	_ =	shalt  }
0x4f: {  	_ =	shalt  }
0x50: {  	_ =	shalt  }
0x51: {  	_ =	shalt  }
0x52: {  	_ =	shalt  }
0x53: {  	_ =	shalt  }
0x54: {  	_ =	shalt  }
0x55: {  	_ =	shalt  }
0x56: {  	_ =	shalt  }
0x57: {  	_ =	shalt  }
0x58: {  	_ =	shalt  }
0x59: {  	_ =	shalt  }
0x5a: {  	_ =	shalt  }
0x5b: {  	_ =	shalt  }
0x5c: {  	_ =	shalt  }
0x5d: {  	_ =	shalt  }
0x5e: {  	_ =	shalt  }
0x5f: {  	_ =	shalt  }
0x60: {  	_ =	shalt  }
0x61: {  	_ =	shalt  }
0x62: {  	_ =	shalt  }
0x63: {  	_ =	shalt  }
0x64: {  	_ =	shalt  }
0x65: {  	_ =	shalt  }
0x66: {  	_ =	shalt  }
0x67: {  	_ =	shalt  }
0x68: {  	_ =	shalt  }
0x69: {  	_ =	shalt  }
0x6a: {  	_ =	shalt  }
0x6b: {  	_ =	shalt  }
0x6c: {  	_ =	shalt  }
0x6d: {  	_ =	shalt  }
0x6e: {  	_ =	shalt  }
0x6f: {  	_ =	shalt  }
0x70: {  	_ =	shalt  }
0x71: {  	_ =	shalt  }
0x72: {  	_ =	shalt  }
0x73: {  	_ =	shalt  }
0x74: {  	_ =	shalt  }
0x75: {  	_ =	shalt  }
0x76: {  	_ =	shalt  }
0x77: {  	_ =	shalt  }
0x78: {  	_ =	shalt  }
0x79: {  	_ =	shalt  }
0x7a: {  	_ =	shalt  }
0x7b: {  	_ =	shalt  }
0x7c: {  	_ =	shalt  }
0x7d: {  	_ =	shalt  }
0x7e: {  	_ =	shalt  }
0x7f: {  	_ =	shalt  }
0x80: {  	_ =	shalt  }
0x81: {  	_ =	shalt  }
0x82: {  	_ =	shalt  }
0x83: {  	_ =	shalt  }
0x84: {  	_ =	shalt  }
0x85: {  	_ =	shalt  }
0x86: {  	_ =	shalt  }
0x87: {  	_ =	shalt  }
.Lfunc_end0:
.L_simem_size_0:
called_computation.3_lowered:
.L_overlay_start_0:
0x88: {  	s2 =	sld [smem:$0x3FD9]  }
0x89: {  	s3 =	sld [smem:$0x3FFE];
	_ =	sdelay $0x1  }
0x8a: {  	s1 =	srdreg.scid  }
0x8b: {  	s0 =	sand.u32 $0x1, s1  }
0x8c: {  	s14 =	sshll.u32 s0, $0xA;
	s2 =	sadd.s32 s3, s2  }
0x8d: {  	s2 =	sadd.s32 s2, s14  }
0x8e: {  	[smem:$0x3FBB] =	sst s2  }
0x8f: {  	_ = 	snop  }
0x90: {  	s2 =	sld [smem:$0x3FD0];
	_ =	sdelay $0x2  }
0x91: {  	s15 =	simm.s32 $0xA;
	s4 =	simm.s32 $0x10  }
0x92: {  	[smem:s4], [sflag:s15] =	dma.local [hbm:s2], $0x1  }
0x93: {  	_ =	swait.eq [sflag:s15], $0x1  }
0x94: {  	[sflag:s15] =	ssyncset.done $0x0  }
0x95: {  	[sflag:s15] =	ssyncadd.s32 $0xFFFFFFFF  }
0x96: {  	s16 =	sld [smem:$0x11];
	(tm) =	ssettm $0x1  }
0x97: {  	s17 =	sld [smem:$0x3FFB];
	_ =	sdelay $0x3  }
0x98: {  	_ =	strace s17  }
0x99: {  	s3 =	sld [smem:$0x3FFC];
	_ =	sdelay $0x3  }
0x9a: {  	_ =	strace s3  }
0x9b: {  	s3 =	sld [smem:$0x3FFD];
	_ =	sdelay $0x3  }
0x9c: {  	_ =	strace s3  }
0x9d: {  	_ =	strace $0x8FFFFFFF  }
0x9e: {  	s18 =	sld [smem:$0x3FDB];
	_ =	sdelay $0x1  }
0x9f: {  	s19 =	simm.s32 $_scs_section_size  }
0xa0: {  	s5 =	simm.s32 $_size__tile_overlayer_lowered;
	s6 =	simm.s32 $_tile_overlayer_lowered  }
0xa1: {  	s22 =	simm.s32 $0x1BFF;
	s21 =	sshll.u32 s6, $0x1;
	s3 =	sadd.s32 s19, s18  }
0xa2: {  	s7 =	simm.s32 $0x0;
	s20 =	sshll.u32 s5, $0x1;
	s5 =	sadd.s32 s21, s3  }
0xa3: {  	[timem:s7], [sflag:s22] =	dma.local [hbm:s5], s20  }
0xa4: {  	_ =	swait.ge [sflag:s22], s20  }
0xa5: {  	s4 =	ssub.s32 $0x0, s20;
	[sflag:s22] =	ssyncset.done $0x0  }
0xa6: {  	[sflag:s22] =	ssyncadd.s32 s4;
	_ =	sdelay $0x1  }
0xa7: {  	s23 =	simm.s32 $0x1B8B  }
0xa8: {  	_ =	swait.ge [sflag:s23], $0x1  }
0xa9: {  	[sflag:s23] =	ssyncset.done $0x0  }
0xaa: {  	s25 =	simm.s32 $0x1B8E;
	s24 =	sld [smem:$0x3FFE];
	[sflag:s23] =	ssyncadd.s32 $0xFFFFFFFF  }
0xab: {  	s26 =	simm.s32 $execute0_lowered;
	[smem:$0x3FD2] =	sst s25  }
0xac: {  	s5 =	sshll.u32 s26, $0x1;
	_ =	strace $0x8000004F;
	[dreg:$0x1] =	wrdreg $0xFFFFFFFF  }
0xad: {  	s28 =	simm.s32 $_size_execute0_lowered;
	s3 =	sadd.s32 s3, s5;
	[dreg:$0x0] =	wrdreg $0x0  }
0xae: {  	s5 =	sshll.u32 s28, $0x1;
	[dreg:$0x2] =	wrdreg s3  }
0xaf: {  	[dreg:$0x3] =	wrdreg s5  }
0xb0: {  	[dreg:$0x4] =	wrdreg $0xC0  }
0xb1: {  	_ =	task [dreg:s7], $0x5FFFF  }
0xb2: {  	[dreg:$0x1] =	wrdreg $0xFFFFFFFF  }
0xb3: {  	[dreg:$0x0] =	wrdreg $0x60  }
0xb4: {  	[dreg:$0x2] =	wrdreg s24  }
0xb5: {  	[dreg:$0x3] =	wrdreg s16  }
0xb6: {  	[dreg:$0x4] =	wrdreg $0x0  }
0xb7: {  	[dreg:$0x5] =	wrdreg $0x27100  }
0xb8: {  	[dreg:$0x6] =	wrdreg $0x9  }
0xb9: {  	_ =	task.clear_ibuf [dreg:s7], $0x7FFFF;
	_ =	strace $0x9000004F  }
0xba: {  	s29 =	simm.s32 $0x9;
	_ =	strace $0x80000051  }
0xbb: {  	_ =	swait.ge [sflag:s29], $0x1  }
0xbc: {  	[sflag:s29] =	ssyncadd.s32 $0xFFFFFFFF  }
0xbd: {  	_ =	strace $0x90000051  }
0xbe: {  	_ =	sfence  }
0xbf: {  	s30 =	sld [smem:$0x0];
	_ =	sdelay $0x2  }
0xc0: {  	s31 =	sshll.u32 s1, $0xD;
	s1 =	sshrl.u32 s1, $0x2  }
0xc1: {  	s3 =	sand.u32 $0x4000, s31;
	s1 =	sadd.s32 s1, s30  }
0xc2: {  	s0 =	sor.u32 s3, s0;
	s1 =	sshll.u32 s1, $0x11  }
0xc3: {  	s0 =	sor.u32 s1, s0  }
0xc4: {  	s0 =	sadd.s32 $0x8F2B, s0  }
0xc5: {  	[sflag:s0] =	ssyncadd.remote.s32 $0x1  }
0xc6: {  	_ =	sfence.sel $0xFFFF  }
0xc7: {  	[dreg:$0x0] =	wrdreg $0xFFFFFFFF;
	(pc) =	sbr.abs _section_cstart, $3  }
0xc8: {  	[dreg:$0x1] =	wrdreg $0xFFFFFFFF  }
0xc9: {  	_ =	task.clear_ibuf [dreg:s7], $0x2FFFF;
	_ =	strace $0x9FFFFFFF  }
0xca: {  	(tm) =	ssettm $0x7FFFFFFF  }
0xcb: {  	_ =	shalt  }
tec
execute0_lowered:
.L_overlay_start_1:
0x0: {  	(tag) =	ssettag $0x1  }
0x1: {  	s6 =	rddreg [dreg:$0x0]  }
0x2: {  	s1 =	rddreg [dreg:$0x1]  }
0x3: {  	s2 =	rddreg [dreg:$0x2]  }
0x4: {  	s4 =	rddreg [dreg:$0x3]  }
0x5: {  	s0 =	rddreg [dreg:$0x4];
	s5 =	simm.s32 $0x0;
	s7 =	srdreg.scid  }
0x6: {  	s3 =	stileid.u32;
	s13 =	simm.s32 $0x2;
	s14 =	simm.s32 $0x6220  }
0x7: {  	s18 =	simm.s32 $0x1;
	s19 =	simm.s32 $0x80;
	s20 =	simm.s32 $0x0  }
0x8: {  	s7 =	sand.u32 $0x1, s7;
	s8 =	sshll.u32 s3, $0x1;
	s9 =	smul.u32 $0x2710, s3  }
0x9: {  	[smem:$0x7FF] =	sst s5;
	s8 =	sor.u32 s7, s8;
	s10 =	smul.u32 $0x27100, s7  }
0xa: {  	s15 =	sshll.u32 s3, $0x6;
	_ =	strace $0x80000050;
	s11 =	smul.u32 $0x2800, s8  }
0xb: {  	s7 =	ssub.s32 $0x2, s7;
	s15 =	sor.u32 $0x1C02, s15;
	s8 =	smul.u32 $0x280, s8  }
0xc: {  	s12 =	sshrl.u32 s7, $0x1;
	s16 =	sadd.s32 s9, s2;
	s17 =	sadd.s32 s9, s4  }
0xd: {  	s10 =	sadd.s32 s9, s10;
	s12 =	ssub.s32 s7, s12;
	s16 =	sshrl.u32 s16, $0x3  }
0xe: {  	s17 =	sshrl.u32 s17, $0x3;
	s10 =	sshrl.u32 s10, $0x3;
	s8 =	sadd.s32 s8, s6  }
0xf: {  	s11 =	sadd.s32 s11, s6;
	s10 =	sadd.s32 s10, s6;
	s6 =	sadd.s32 $0x30A00, s8  }
0x10: {  	s7 =	sadd.s32 $0x35A00, s8;
	s8 =	sadd.s32 $0x3AA00, s11;
	s11 =	smax.u32 s12, $0x1  }
0x11: {  	s12 =	simm.s32 $0x4E20;
	s9 =	sadd.s32 $0x94800, s10;
	s10 =	sadd.s32 $0x8AA00, s10  }
.LBB2_1:
0x12: {  	[tilespmem:s12], [sflag:$0x2] =	stream.linear.gather [hbm4b:s6+s5], $0x1400, $0x38;
	[tilespmem:$0x1B620] =	vst v63  }
0x13: {  	_ =	swait.ge [sflag:s13], $0x1400  }
0x14: {  	[sflag:s13] =	ssyncset.done $0x0  }
0x15: {  	[sflag:s13] =	ssyncadd.s32 $0xFFFFEC00  }
0x16: {  	[tilespmem:s14], [sflag:$0x2] =	stream.linear.gather [hbm4b:s7+s5], $0x1400, $0x38;
	[tilespmem:$0x1B620] =	vst v63  }
0x17: {  	_ =	swait.ge [sflag:s13], $0x1400  }
0x18: {  	[sflag:s13] =	ssyncset.done $0x0  }
0x19: {  	s21 =	simm.s32 $0x7620;
	[sflag:s13] =	ssyncadd.s32 $0xFFFFEC00  }
0x1a: {  	[tilespmem:s21], [sflag:$0x1] =	stream.linear.gather [hbm4b:s8+s5], $0x14000, $0x38;
	[tilespmem:$0x1B620] =	vst v63  }
0x1b: {  	[spmem:s16], [sflag:s15] =	dma.local [hbm:s1], $0x4E2  }
0x1c: {  	_ =	swait.ge [sflag:s13], $0x4E2  }
0x1d: {  	[sflag:s13] =	ssyncset.done $0x0  }
0x1e: {  	[sflag:s13] =	ssyncadd.s32 $0xFFFFFB1E  }
0x1f: {  	[spmem:s17], [sflag:s15] =	dma.local [hbm:s1], $0x4E2  }
0x20: {  	_ =	swait.ge [sflag:s13], $0x4E2  }
0x21: {  	[sflag:s13] =	ssyncset.done $0x0  }
0x22: {  	[sflag:s13] =	ssyncadd.s32 $0xFFFFFB1E  }
0x23: {  	_ =	swait.ge [sflag:s18], $0x14000  }
0x24: {  	[sflag:s18] =	ssyncset.done $0x0  }
0x25: {  	[sflag:s18] =	ssyncadd.s32 $0xFFFEC000  }
0x26: {  	s22 =	simm.s32 $0x4E20;
	[bflag:$0x0] =	sbarrier.arrive $0xFFFF  }
0x27: {  	[spmem:s2] =	stream.indirect.scatter.add.f32 [tilespmem:s21], [sflag:$0x2], $0x10, s22, s19, $0xb8;
	[tilespmem:$0x1B620] =	vst v63  }
0x28: {  	_ =	swait.ge [sflag:s13], $0x800  }
0x29: {  	[sflag:s13] =	ssyncset.done $0x0  }
0x2a: {  	s31 =	simm.s32 $0x6220;
	[sflag:s13] =	ssyncadd.s32 $0xFFFFF800  }
0x2b: {  	[spmem:s4] =	stream.indirect.scatter.add.f32 [tilespmem:s21], [sflag:$0x2], $0x10, s31, s19, $0xb8;
	[tilespmem:$0x1B620] =	vst v63  }
0x2c: {  	s23 =	simm.s32 $0x400;
	_ =	swait.ge [sflag:s13], $0x800  }
0x2d: {  	s22 =	simm.s32 $0x80;
	s21 =	simm.s32 $0x7E20;
	[sflag:s13] =	ssyncset.done $0x0  }
.LBB2_2:
0x2e: {  	s24 =	sadd.s32 $0x4E20, s22  }
0x2f: {  	[sflag:s13] =	ssyncadd.s32 $0xFFFFF800;
	s25 =	smov.u32 s23;
	s26 =	sadd.s32 $0x200, s23  }
0x30: {  	[spmem:s2] =	stream.indirect.scatter.add.f32 [tilespmem:s21], [sflag:$0x2], $0x10, s24, s19, $0xb8;
	[tilespmem:$0x1B620] =	vst v63  }
0x31: {  	p0 =	sne.s32 s23, $0x4E00;
	_ =	swait.ge [sflag:s13], $0x800  }
.Ltmp0:
0x32: {  	[sflag:s13] =	ssyncset.done $0x0;
	(pc) =	sbr.rel @p0 .LBB2_2-.Ltmp0, $4  }
0x33: {  	s22 =	sadd.s32 $0x6220, s22;
	[sflag:s13] =	ssyncadd.s32 $0xFFFFF800  }
0x34: {  	[spmem:s4] =	stream.indirect.scatter.add.f32 [tilespmem:s21], [sflag:$0x2], $0x10, s22, s19, $0xb8;
	[tilespmem:$0x1B620] =	vst v63  }
0x35: {  	s23 =	smov.u32 s26;
	_ =	swait.ge [sflag:s13], $0x800  }
0x36: {  	s22 =	sshra.s32 s25, $0x2;
	s21 =	sadd.s32 $0x800, s21;
	[sflag:s13] =	ssyncset.done $0x0  }
0x37: {  	s23 =	sadd.s32 $0x4E20, s22;
	[sflag:s13] =	ssyncadd.s32 $0xFFFFF800  }
0x38: {  	[spmem:s2] =	stream.indirect.scatter.add.f32 [tilespmem:s21], [sflag:$0x2], $0x10, s23, s19, $0xb8;
	[tilespmem:$0x1B620] =	vst v63  }
0x39: {  	_ =	swait.ge [sflag:s13], $0x800  }
0x3a: {  	[sflag:s13] =	ssyncset.done $0x0  }
0x3b: {  	s31 =	sadd.s32 $0x6220, s22;
	[sflag:s13] =	ssyncadd.s32 $0xFFFFF800  }
0x3c: {  	[spmem:s4] =	stream.indirect.scatter.add.f32 [tilespmem:s21], [sflag:$0x2], $0x10, s31, s19, $0xb8;
	[tilespmem:$0x1B620] =	vst v63  }
0x3d: {  	_ =	swait.ge [sflag:s13], $0x800  }
0x3e: {  	[sflag:s13] =	ssyncset.done $0x0  }
0x3f: {  	[sflag:s13] =	ssyncadd.s32 $0xFFFFF800  }
0x40: {  	[bflag:$0x0] =	sbarrier.arrive $0xFFFF  }
0x41: {  	[hbm:s9], [sflag:s15] =	dma.local [spmem:s16], $0x4E2  }
0x42: {  	s20 =	sadd.s32 $0x1, s20;
	_ =	swait.ge [sflag:s13], $0x4E2  }
0x43: {  	p0 =	sne.s32 s20, s11;
	[sflag:s13] =	ssyncset.done $0x0  }
.Ltmp1:
0x44: {  	[sflag:s13] =	ssyncadd.s32 $0xFFFFFB1E;
	(pc) =	sbr.rel @p0 .LBB2_1-.Ltmp1, $4  }
0x45: {  	[hbm:s10], [sflag:s15] =	dma.local [spmem:s17], $0x4E2  }
0x46: {  	_ =	swait.ge [sflag:s13], $0x4E2  }
0x47: {  	[sflag:s13] =	ssyncset.done $0x0  }
0x48: {  	[sflag:s13] =	ssyncadd.s32 $0xFFFFFB1E  }
0x49: {  	_ =	sfence.sel $0x180000  }
0x4a: {  	[bflag:$0x0] =	sbarrier.arrive $0xFFFF  }
0x4b: {  	p0 =	sne.s32 s3, $0x0;
	_ =	strace $0x90000050  }
0x4c: {  	s0 =	sadd.s32 @!p0 $0x100000, s0;
	[bflag:$0x2] =	sbarrier.arrive $0xFFFF  }
0x4d: {  	[sflag:s0] =	ssyncadd.tile.s32 @!p0 $0x1;
	_ =	shalt  }
.Lfunc_end2:
_tile_overlayer_lowered:
.L_overlay_start_2:
0x4e: {  	(tag) =	ssettag $0x2  }
0x4f: {  	s0 =	rddreg [dreg:$0x0];
	s2 =	stileid.u32  }
0x50: {  	s1 =	rddreg [dreg:$0x1];
	p0 =	sne.s32 s2, $0x0  }
0x51: {  	s3 =	rddreg [dreg:$0x2];
	[bflag:$0x3] =	sbarrier.arrive $0xFFFF;
	s2 =	simm.s32 @!p0 $0x1C02  }
0x52: {  	[timem:s3], [sflag:s2] =	dma.local @!p0 [hbm:s0], s1  }
0x53: {  	s0 =	simm.s32 @!p0 $0x2  }
0x54: {  	_ =	swait.ge @!p0 [sflag:s0], s1  }
0x55: {  	s1 =	ssub.s32 @!p0 $0x0, s1;
	[sflag:s0] =	ssyncset.done @!p0 $0x0  }
0x56: {  	[sflag:s0] =	ssyncadd.s32 @!p0 s1  }
0x57: {  	[bflag:$0x3] =	sbarrier.arrive $0xFFFF  }
0x58: {  	_ =	shalt  }

</sc_bundles>
